<compile_context>
chip_gen: v7x
topology: tpu7x:2x2x1
jax: 0.10.2.dev20260603
libtpu: 0.0.44.dev20260713+nightly
codegen_flags: <defaults>
</compile_context>

<pallas_src>
import functools

import numpy as np
import jax
import jax.numpy as jnp
from jax import lax
from jax.experimental import pallas as pl
from jax.experimental.pallas import tpu as pltpu
from jax.experimental.pallas import tpu_sc as plsc

EMBED = 64
SEQ = 200
SEQ_PAD = 256
LANES = 16
NUM_WORKERS = 32
ROW_F32 = SEQ * EMBED
CHUNKS = ((0, 104), (104, 96))


def _positional_encoding_np(length, depth):
    half = depth / 2
    positions = np.arange(length)[:, np.newaxis]
    depths = np.arange(half)[np.newaxis, :] / half
    angle_rates = 1 / 10000 ** depths
    angle_rads = positions * angle_rates
    return np.concatenate(
        [np.sin(angle_rads), np.cos(angle_rads)], axis=-1
    ).astype(np.float32)


def _make_sc_kernel(batch):
    assert batch % NUM_WORKERS == 0
    b_per_w = batch // NUM_WORKERS
    scale = float(EMBED) ** 0.5

    @functools.partial(
        pl.kernel,
        mesh=plsc.VectorSubcoreMesh(core_axis_name="c", subcore_axis_name="s"),
        out_type=jax.ShapeDtypeStruct((batch, ROW_F32), jnp.float32),
        scratch_types=[
            pltpu.VMEM((b_per_w, SEQ_PAD), jnp.int32),
            pltpu.VMEM((b_per_w * SEQ_PAD,), jnp.int32),
            pltpu.VMEM((SEQ, EMBED), jnp.float32),
            pltpu.VMEM((SEQ, EMBED), jnp.float32),
            pltpu.VMEM((ROW_F32,), jnp.float32),
            pltpu.VMEM((ROW_F32,), jnp.float32),
            pltpu.VMEM((ROW_F32,), jnp.float32),
            pltpu.SemaphoreType.DMA,
            pltpu.SemaphoreType.DMA,
            pltpu.SemaphoreType.DMA,
            pltpu.SemaphoreType.DMA,
        ],
        compiler_params=pltpu.CompilerParams(
            use_tc_tiling_on_sc=False, needs_layout_passes=False
        ),
    )
    def sc_kernel(x_hbm, table_hbm, pe_hbm, out_hbm,
                  xf_v, idx_v, rows0, rows1, out0, out1, pe_v,
                  gsem0, gsem1, osem0, osem1):
        wid = lax.axis_index("s") * 2 + lax.axis_index("c")
        base = wid * b_per_w
        pltpu.sync_copy(pe_hbm, pe_v)
        pltpu.sync_copy(x_hbm.at[pl.ds(base, b_per_w)], xf_v)

        def conv_row(i, c2):
            ib = i * SEQ_PAD
            for c in range(SEQ_PAD // LANES):
                idx_v[pl.ds(ib + c * LANES, LANES)] = xf_v[
                    i, pl.ds(c * LANES, LANES)
                ]
            return c2

        lax.fori_loop(0, b_per_w, conv_row, 0)

        rows = (rows0, rows1)
        outs = (out0, out1)
        gsems = (gsem0, gsem1)
        osems = (osem0, osem1)

        def start_gather(i, slot):
            for off, n in CHUNKS:
                pltpu.make_async_copy(
                    table_hbm.at[idx_v.at[pl.ds(i * SEQ_PAD + off, n)]],
                    rows[slot].at[pl.ds(off, n)],
                    gsems[slot],
                ).start()

        def wait_gather(slot):
            for off, n in CHUNKS:
                pltpu.make_async_copy(
                    table_hbm.at[idx_v.at[pl.ds(off, n)]],
                    rows[slot].at[pl.ds(off, n)],
                    gsems[slot],
                ).wait()

        def wait_out(i, slot):
            pltpu.make_async_copy(
                outs[slot], out_hbm.at[base + i], osems[slot]
            ).wait()

        start_gather(0, 0)
        start_gather(1, 1)

        C = EMBED // LANES

        def per_pair(i2, carry):
            for slot in range(2):
                i = i2 * 2 + slot
                wait_gather(slot)

                @pl.when(i2 > 0)
                def _():
                    wait_out(i, slot)

                rv, ov = rows[slot], outs[slot]

                def per_rowpair(qq, c3):
                    r = qq * 2
                    fb = r * EMBED
                    vals = [
                        rv[r + dr, pl.ds(c * LANES, LANES)]
                        for dr in range(2)
                        for c in range(C)
                    ]
                    pes = [
                        pe_v[pl.ds(fb + k * LANES, LANES)]
                        for k in range(2 * C)
                    ]
                    res = [v * scale + p for v, p in zip(vals, pes)]
                    for k in range(2 * C):
                        ov[pl.ds(fb + k * LANES, LANES)] = res[k]
                    return c3

                lax.fori_loop(0, SEQ // 2, per_rowpair, 0)

                pltpu.make_async_copy(
                    ov, out_hbm.at[base + i], osems[slot]
                ).start()

                @pl.when(i2 < (b_per_w // 2) - 1)
                def _():
                    start_gather(i + 2, slot)
            return carry

        lax.fori_loop(0, b_per_w // 2, per_pair, 0)
        wait_out(b_per_w - 2, 0)
        wait_out(b_per_w - 1, 1)

    return sc_kernel


def kernel(x, table):
    batch, seq = x.shape
    assert seq == SEQ and table.shape[1] == EMBED
    pe = jnp.asarray(_positional_encoding_np(SEQ, EMBED).reshape(-1))
    x_pad = jnp.pad(x.astype(jnp.int32), ((0, 0), (0, SEQ_PAD - SEQ)))
    out = _make_sc_kernel(batch)(x_pad, table, pe)
    return out.reshape(batch, SEQ, EMBED)

# --- scband reference (transcript-rebuilt; emitter-appended) ---
"""Pipeline reference for scband-positional-encoding-81003083203504 (READ-ONLY COPY).

The authoritative reference and input builder live on the scoring server;
editing this copy changes nothing except your own understanding.
"""

import jax, jax.numpy as jnp
import numpy as np

VOCAB_SIZE = 1000000
EMBED_SIZE = 64
SEQ_LEN = 200
BATCH = 1024


def _positional_encoding(length, depth):
    half = depth / 2
    positions = np.arange(length)[:, np.newaxis]
    depths = np.arange(half)[np.newaxis, :] / half
    angle_rates = 1 / 10000 ** depths
    angle_rads = positions * angle_rates
    pos_encoding = np.concatenate([np.sin(angle_rads), np.cos(angle_rads)], axis=-1)
    return jnp.asarray(pos_encoding, dtype=jnp.float32)


def setup_inputs(seed: int = 0) -> dict:
    key = jax.random.key(seed)
    k1, k2 = jax.random.split(key)
    x = jax.random.randint(k1, (BATCH, SEQ_LEN), 0, VOCAB_SIZE, dtype=jnp.int64 if jax.config.jax_enable_x64 else jnp.int32)
    # Keras Embedding default init: uniform(-0.05, 0.05)
    table = jax.random.uniform(k2, (VOCAB_SIZE, EMBED_SIZE), dtype=jnp.float32, minval=-0.05, maxval=0.05)
    return {"x": x, "table": table}


def reference(x, table):
    pos_encoding = _positional_encoding(SEQ_LEN, EMBED_SIZE)
    embeddings = jnp.take(table, x, axis=0) * (EMBED_SIZE ** 0.5)
    embeddings = embeddings + pos_encoding[jnp.newaxis, :x.shape[1], :]
    return embeddings

if __name__ == "__main__":
    import jax
    _d = setup_inputs()
    print(jax.jit(kernel)(*tuple(_d.values())))

</pallas_src>

<mosaic_0001>
#map = affine_map<(d0, d1) -> (0, 0)>
#map1 = affine_map<(d0, d1) -> (0)>
module attributes {stable_mosaic.version = 14 : i64} {
  func.func @sc_kernel(%arg0: i32, %arg1: i32, %arg2: memref<1024x256xi32, #tpu.memory_space<hbm>>, %arg3: memref<1000000x64xf32, #tpu.memory_space<hbm>>, %arg4: memref<12800xf32, #tpu.memory_space<hbm>>, %arg5: memref<1024x12800xf32, #tpu.memory_space<hbm>>, %arg6: memref<32x256xi32, #tpu.memory_space<vmem>>, %arg7: memref<8192xi32, #tpu.memory_space<vmem>>, %arg8: memref<200x64xf32, #tpu.memory_space<vmem>>, %arg9: memref<200x64xf32, #tpu.memory_space<vmem>>, %arg10: memref<12800xf32, #tpu.memory_space<vmem>>, %arg11: memref<12800xf32, #tpu.memory_space<vmem>>, %arg12: memref<12800xf32, #tpu.memory_space<vmem>>, %arg13: memref<!tpu.dma_semaphore, #tpu.memory_space<semaphore_mem>>, %arg14: memref<!tpu.dma_semaphore, #tpu.memory_space<semaphore_mem>>, %arg15: memref<!tpu.dma_semaphore, #tpu.memory_space<semaphore_mem>>, %arg16: memref<!tpu.dma_semaphore, #tpu.memory_space<semaphore_mem>>) attributes {dimension_semantics = [#tpu.dimension_semantics<core_parallel>, #tpu.dimension_semantics<subcore_parallel>], iteration_bounds = array<i64: 2, 16>, scalar_prefetch = 0 : i64, scratch_operands = 11 : i64, tpu.core_type = #tpu.core_type<sc_vector_subcore>, window_params = [{transform_indices = #map}, {transform_indices = #map}, {transform_indices = #map1}, {transform_indices = #map}]} {
    %mul3A = arith.constant 2 : i32
    %mul3A_0 = arith.muli %arg1, %mul3A : i32
    %add3A = arith.addi %mul3A_0, %arg0 : i32
    %mul3A_1 = arith.constant 32 : i32
    %mul3A_2 = arith.muli %add3A, %mul3A_1 : i32
    "tpu.region"() ({
      %run_scoped3A = tpu.sem_alloc : memref<!tpu.dma_semaphore, #tpu.memory_space<semaphore_mem>>
      tpu.enqueue_dma source(%arg4 : memref<12800xf32, #tpu.memory_space<hbm>>) target(%arg12 : memref<12800xf32, #tpu.memory_space<vmem>>) target_semaphore(%run_scoped3A : memref<!tpu.dma_semaphore, #tpu.memory_space<semaphore_mem>>)
      tpu.wait_dma2 semaphore(%run_scoped3A : memref<!tpu.dma_semaphore, #tpu.memory_space<semaphore_mem>>) src(%arg4 : memref<12800xf32, #tpu.memory_space<hbm>>) dst(%arg12 : memref<12800xf32, #tpu.memory_space<vmem>>)
      tpu.yield
    }) : () -> ()
    "tpu.region"() ({
      %run_scoped3A = tpu.sem_alloc : memref<!tpu.dma_semaphore, #tpu.memory_space<semaphore_mem>>
      %dma_start3A_60 = arith.constant 0 : i32
      %dma_start3A_61 = tpu.memref_slice %arg2[%mul3A_2, %dma_start3A_60] : memref<1024x256xi32, #tpu.memory_space<hbm>> -> memref<32x256xi32, #tpu.memory_space<hbm>>
      %dma_start3A_62 = arith.constant 0 : i32
      %dma_start3A_63 = tpu.memref_slice %arg2[%mul3A_2, %dma_start3A_62] : memref<1024x256xi32, #tpu.memory_space<hbm>> -> memref<32x256xi32, #tpu.memory_space<hbm>>
      tpu.enqueue_dma source(%dma_start3A_63 : memref<32x256xi32, #tpu.memory_space<hbm>>) target(%arg6 : memref<32x256xi32, #tpu.memory_space<vmem>>) target_semaphore(%run_scoped3A : memref<!tpu.dma_semaphore, #tpu.memory_space<semaphore_mem>>)
      %dma_wait3A_64 = arith.constant 0 : i32
      %dma_wait3A_65 = tpu.memref_slice %arg2[%mul3A_2, %dma_wait3A_64] : memref<1024x256xi32, #tpu.memory_space<hbm>> -> memref<32x256xi32, #tpu.memory_space<hbm>>
      %dma_wait3A_66 = arith.constant 0 : i32
      %dma_wait3A_67 = tpu.memref_slice %arg2[%mul3A_2, %dma_wait3A_66] : memref<1024x256xi32, #tpu.memory_space<hbm>> -> memref<32x256xi32, #tpu.memory_space<hbm>>
      tpu.wait_dma2 semaphore(%run_scoped3A : memref<!tpu.dma_semaphore, #tpu.memory_space<semaphore_mem>>) src(%dma_wait3A_67 : memref<32x256xi32, #tpu.memory_space<hbm>>) dst(%arg6 : memref<32x256xi32, #tpu.memory_space<vmem>>)
      tpu.yield
    }) : () -> ()
    %scan3A = arith.constant 0 : i32
    %scan3A_3 = arith.constant 0 : i32
    %scan3A_4 = arith.constant 32 : i32
    %scan3A_5 = arith.addi %scan3A_3, %scan3A_4 : i32
    %scan3A_6 = arith.constant 1 : i32
    scf.for %scan3A_60 = %scan3A_3 to %scan3A_5 step %scan3A_6  : i32 {
      %mul3A_61 = arith.constant 256 : i32
      %mul3A_62 = arith.muli %scan3A_60, %mul3A_61 : i32
      %get3A = arith.index_cast %scan3A_60 : i32 to index
      %get3A_63 = arith.constant 0 : index
      %get3A_64 = tpu.vector_load %arg6[%get3A, %get3A_63] {strides = array<i32>} : memref<32x256xi32, #tpu.memory_space<vmem>>, vector<16xi32>,
      %add3A_65 = arith.constant 0 : i32
      %add3A_66 = arith.addi %mul3A_62, %add3A_65 : i32
      %swap3A = arith.index_cast %add3A_66 : i32 to index
      %swap3A_67 = tpu.vector_load %arg7[%swap3A] {strides = array<i32>} : memref<8192xi32, #tpu.memory_space<vmem>>, vector<16xi32>,
      tpu.vector_store %arg7[%swap3A], %get3A_64 {strides = array<i32>} : memref<8192xi32, #tpu.memory_space<vmem>>, vector<16xi32>,
      %get3A_68 = arith.index_cast %scan3A_60 : i32 to index
      %get3A_69 = arith.constant 16 : index
      %get3A_70 = tpu.vector_load %arg6[%get3A_68, %get3A_69] {strides = array<i32>} : memref<32x256xi32, #tpu.memory_space<vmem>>, vector<16xi32>,
      %add3A_71 = arith.constant 16 : i32
      %add3A_72 = arith.addi %mul3A_62, %add3A_71 : i32
      %swap3A_73 = arith.index_cast %add3A_72 : i32 to index
      %swap3A_74 = tpu.vector_load %arg7[%swap3A_73] {strides = array<i32>} : memref<8192xi32, #tpu.memory_space<vmem>>, vector<16xi32>,
      tpu.vector_store %arg7[%swap3A_73], %get3A_70 {strides = array<i32>} : memref<8192xi32, #tpu.memory_space<vmem>>, vector<16xi32>,
      %get3A_75 = arith.index_cast %scan3A_60 : i32 to index
      %get3A_76 = arith.constant 32 : index
      %get3A_77 = tpu.vector_load %arg6[%get3A_75, %get3A_76] {strides = array<i32>} : memref<32x256xi32, #tpu.memory_space<vmem>>, vector<16xi32>,
      %add3A_78 = arith.constant 32 : i32
      %add3A_79 = arith.addi %mul3A_62, %add3A_78 : i32
      %swap3A_80 = arith.index_cast %add3A_79 : i32 to index
      %swap3A_81 = tpu.vector_load %arg7[%swap3A_80] {strides = array<i32>} : memref<8192xi32, #tpu.memory_space<vmem>>, vector<16xi32>,
      tpu.vector_store %arg7[%swap3A_80], %get3A_77 {strides = array<i32>} : memref<8192xi32, #tpu.memory_space<vmem>>, vector<16xi32>,
      %get3A_82 = arith.index_cast %scan3A_60 : i32 to index
      %get3A_83 = arith.constant 48 : index
      %get3A_84 = tpu.vector_load %arg6[%get3A_82, %get3A_83] {strides = array<i32>} : memref<32x256xi32, #tpu.memory_space<vmem>>, vector<16xi32>,
      %add3A_85 = arith.constant 48 : i32
      %add3A_86 = arith.addi %mul3A_62, %add3A_85 : i32
      %swap3A_87 = arith.index_cast %add3A_86 : i32 to index
      %swap3A_88 = tpu.vector_load %arg7[%swap3A_87] {strides = array<i32>} : memref<8192xi32, #tpu.memory_space<vmem>>, vector<16xi32>,
      tpu.vector_store %arg7[%swap3A_87], %get3A_84 {strides = array<i32>} : memref<8192xi32, #tpu.memory_space<vmem>>, vector<16xi32>,
      %get3A_89 = arith.index_cast %scan3A_60 : i32 to index
      %get3A_90 = arith.constant 64 : index
      %get3A_91 = tpu.vector_load %arg6[%get3A_89, %get3A_90] {strides = array<i32>} : memref<32x256xi32, #tpu.memory_space<vmem>>, vector<16xi32>,
      %add3A_92 = arith.constant 64 : i32
      %add3A_93 = arith.addi %mul3A_62, %add3A_92 : i32
      %swap3A_94 = arith.index_cast %add3A_93 : i32 to index
      %swap3A_95 = tpu.vector_load %arg7[%swap3A_94] {strides = array<i32>} : memref<8192xi32, #tpu.memory_space<vmem>>, vector<16xi32>,
      tpu.vector_store %arg7[%swap3A_94], %get3A_91 {strides = array<i32>} : memref<8192xi32, #tpu.memory_space<vmem>>, vector<16xi32>,
      %get3A_96 = arith.index_cast %scan3A_60 : i32 to index
      %get3A_97 = arith.constant 80 : index
      %get3A_98 = tpu.vector_load %arg6[%get3A_96, %get3A_97] {strides = array<i32>} : memref<32x256xi32, #tpu.memory_space<vmem>>, vector<16xi32>,
      %add3A_99 = arith.constant 80 : i32
      %add3A_100 = arith.addi %mul3A_62, %add3A_99 : i32
      %swap3A_101 = arith.index_cast %add3A_100 : i32 to index
      %swap3A_102 = tpu.vector_load %arg7[%swap3A_101] {strides = array<i32>} : memref<8192xi32, #tpu.memory_space<vmem>>, vector<16xi32>,
      tpu.vector_store %arg7[%swap3A_101], %get3A_98 {strides = array<i32>} : memref<8192xi32, #tpu.memory_space<vmem>>, vector<16xi32>,
      %get3A_103 = arith.index_cast %scan3A_60 : i32 to index
      %get3A_104 = arith.constant 96 : index
      %get3A_105 = tpu.vector_load %arg6[%get3A_103, %get3A_104] {strides = array<i32>} : memref<32x256xi32, #tpu.memory_space<vmem>>, vector<16xi32>,
      %add3A_106 = arith.constant 96 : i32
      %add3A_107 = arith.addi %mul3A_62, %add3A_106 : i32
      %swap3A_108 = arith.index_cast %add3A_107 : i32 to index
      %swap3A_109 = tpu.vector_load %arg7[%swap3A_108] {strides = array<i32>} : memref<8192xi32, #tpu.memory_space<vmem>>, vector<16xi32>,
      tpu.vector_store %arg7[%swap3A_108], %get3A_105 {strides = array<i32>} : memref<8192xi32, #tpu.memory_space<vmem>>, vector<16xi32>,
      %get3A_110 = arith.index_cast %scan3A_60 : i32 to index
      %get3A_111 = arith.constant 112 : index
      %get3A_112 = tpu.vector_load %arg6[%get3A_110, %get3A_111] {strides = array<i32>} : memref<32x256xi32, #tpu.memory_space<vmem>>, vector<16xi32>,
      %add3A_113 = arith.constant 112 : i32
      %add3A_114 = arith.addi %mul3A_62, %add3A_113 : i32
      %swap3A_115 = arith.index_cast %add3A_114 : i32 to index
      %swap3A_116 = tpu.vector_load %arg7[%swap3A_115] {strides = array<i32>} : memref<8192xi32, #tpu.memory_space<vmem>>, vector<16xi32>,
      tpu.vector_store %arg7[%swap3A_115], %get3A_112 {strides = array<i32>} : memref<8192xi32, #tpu.memory_space<vmem>>, vector<16xi32>,
      %get3A_117 = arith.index_cast %scan3A_60 : i32 to index
      %get3A_118 = arith.constant 128 : index
      %get3A_119 = tpu.vector_load %arg6[%get3A_117, %get3A_118] {strides = array<i32>} : memref<32x256xi32, #tpu.memory_space<vmem>>, vector<16xi32>,
      %add3A_120 = arith.constant 128 : i32
      %add3A_121 = arith.addi %mul3A_62, %add3A_120 : i32
      %swap3A_122 = arith.index_cast %add3A_121 : i32 to index
      %swap3A_123 = tpu.vector_load %arg7[%swap3A_122] {strides = array<i32>} : memref<8192xi32, #tpu.memory_space<vmem>>, vector<16xi32>,
      tpu.vector_store %arg7[%swap3A_122], %get3A_119 {strides = array<i32>} : memref<8192xi32, #tpu.memory_space<vmem>>, vector<16xi32>,
      %get3A_124 = arith.index_cast %scan3A_60 : i32 to index
      %get3A_125 = arith.constant 144 : index
      %get3A_126 = tpu.vector_load %arg6[%get3A_124, %get3A_125] {strides = array<i32>} : memref<32x256xi32, #tpu.memory_space<vmem>>, vector<16xi32>,
      %add3A_127 = arith.constant 144 : i32
      %add3A_128 = arith.addi %mul3A_62, %add3A_127 : i32
      %swap3A_129 = arith.index_cast %add3A_128 : i32 to index
      %swap3A_130 = tpu.vector_load %arg7[%swap3A_129] {strides = array<i32>} : memref<8192xi32, #tpu.memory_space<vmem>>, vector<16xi32>,
      tpu.vector_store %arg7[%swap3A_129], %get3A_126 {strides = array<i32>} : memref<8192xi32, #tpu.memory_space<vmem>>, vector<16xi32>,
      %get3A_131 = arith.index_cast %scan3A_60 : i32 to index
      %get3A_132 = arith.constant 160 : index
      %get3A_133 = tpu.vector_load %arg6[%get3A_131, %get3A_132] {strides = array<i32>} : memref<32x256xi32, #tpu.memory_space<vmem>>, vector<16xi32>,
      %add3A_134 = arith.constant 160 : i32
      %add3A_135 = arith.addi %mul3A_62, %add3A_134 : i32
      %swap3A_136 = arith.index_cast %add3A_135 : i32 to index
      %swap3A_137 = tpu.vector_load %arg7[%swap3A_136] {strides = array<i32>} : memref<8192xi32, #tpu.memory_space<vmem>>, vector<16xi32>,
      tpu.vector_store %arg7[%swap3A_136], %get3A_133 {strides = array<i32>} : memref<8192xi32, #tpu.memory_space<vmem>>, vector<16xi32>,
      %get3A_138 = arith.index_cast %scan3A_60 : i32 to index
      %get3A_139 = arith.constant 176 : index
      %get3A_140 = tpu.vector_load %arg6[%get3A_138, %get3A_139] {strides = array<i32>} : memref<32x256xi32, #tpu.memory_space<vmem>>, vector<16xi32>,
      %add3A_141 = arith.constant 176 : i32
      %add3A_142 = arith.addi %mul3A_62, %add3A_141 : i32
      %swap3A_143 = arith.index_cast %add3A_142 : i32 to index
      %swap3A_144 = tpu.vector_load %arg7[%swap3A_143] {strides = array<i32>} : memref<8192xi32, #tpu.memory_space<vmem>>, vector<16xi32>,
      tpu.vector_store %arg7[%swap3A_143], %get3A_140 {strides = array<i32>} : memref<8192xi32, #tpu.memory_space<vmem>>, vector<16xi32>,
      %get3A_145 = arith.index_cast %scan3A_60 : i32 to index
      %get3A_146 = arith.constant 192 : index
      %get3A_147 = tpu.vector_load %arg6[%get3A_145, %get3A_146] {strides = array<i32>} : memref<32x256xi32, #tpu.memory_space<vmem>>, vector<16xi32>,
      %add3A_148 = arith.constant 192 : i32
      %add3A_149 = arith.addi %mul3A_62, %add3A_148 : i32
      %swap3A_150 = arith.index_cast %add3A_149 : i32 to index
      %swap3A_151 = tpu.vector_load %arg7[%swap3A_150] {strides = array<i32>} : memref<8192xi32, #tpu.memory_space<vmem>>, vector<16xi32>,
      tpu.vector_store %arg7[%swap3A_150], %get3A_147 {strides = array<i32>} : memref<8192xi32, #tpu.memory_space<vmem>>, vector<16xi32>,
      %get3A_152 = arith.index_cast %scan3A_60 : i32 to index
      %get3A_153 = arith.constant 208 : index
      %get3A_154 = tpu.vector_load %arg6[%get3A_152, %get3A_153] {strides = array<i32>} : memref<32x256xi32, #tpu.memory_space<vmem>>, vector<16xi32>,
      %add3A_155 = arith.constant 208 : i32
      %add3A_156 = arith.addi %mul3A_62, %add3A_155 : i32
      %swap3A_157 = arith.index_cast %add3A_156 : i32 to index
      %swap3A_158 = tpu.vector_load %arg7[%swap3A_157] {strides = array<i32>} : memref<8192xi32, #tpu.memory_space<vmem>>, vector<16xi32>,
      tpu.vector_store %arg7[%swap3A_157], %get3A_154 {strides = array<i32>} : memref<8192xi32, #tpu.memory_space<vmem>>, vector<16xi32>,
      %get3A_159 = arith.index_cast %scan3A_60 : i32 to index
      %get3A_160 = arith.constant 224 : index
      %get3A_161 = tpu.vector_load %arg6[%get3A_159, %get3A_160] {strides = array<i32>} : memref<32x256xi32, #tpu.memory_space<vmem>>, vector<16xi32>,
      %add3A_162 = arith.constant 224 : i32
      %add3A_163 = arith.addi %mul3A_62, %add3A_162 : i32
      %swap3A_164 = arith.index_cast %add3A_163 : i32 to index
      %swap3A_165 = tpu.vector_load %arg7[%swap3A_164] {strides = array<i32>} : memref<8192xi32, #tpu.memory_space<vmem>>, vector<16xi32>,
      tpu.vector_store %arg7[%swap3A_164], %get3A_161 {strides = array<i32>} : memref<8192xi32, #tpu.memory_space<vmem>>, vector<16xi32>,
      %get3A_166 = arith.index_cast %scan3A_60 : i32 to index
      %get3A_167 = arith.constant 240 : index
      %get3A_168 = tpu.vector_load %arg6[%get3A_166, %get3A_167] {strides = array<i32>} : memref<32x256xi32, #tpu.memory_space<vmem>>, vector<16xi32>,
      %add3A_169 = arith.constant 240 : i32
      %add3A_170 = arith.addi %mul3A_62, %add3A_169 : i32
      %swap3A_171 = arith.index_cast %add3A_170 : i32 to index
      %swap3A_172 = tpu.vector_load %arg7[%swap3A_171] {strides = array<i32>} : memref<8192xi32, #tpu.memory_space<vmem>>, vector<16xi32>,
      tpu.vector_store %arg7[%swap3A_171], %get3A_168 {strides = array<i32>} : memref<8192xi32, #tpu.memory_space<vmem>>, vector<16xi32>,
    }
    %scan3A_7 = arith.constant 32 : i32
    %dma_start3A = arith.constant 0 : i32
    %dma_start3A_8 = arith.constant 0 : i32
    %dma_start3A_9 = tpu.memref_slice %arg8[%dma_start3A, %dma_start3A_8] : memref<200x64xf32, #tpu.memory_space<vmem>> -> memref<104x64xf32, #tpu.memory_space<vmem>>
    %dma_start3A_10 = arith.constant 0 : i32
    %dma_start3A_11 = tpu.memref_slice %arg7[%dma_start3A_10] : memref<8192xi32, #tpu.memory_space<vmem>> -> memref<104xi32, #tpu.memory_space<vmem>>
    %dma_start3A_12 = arith.constant 0 : i32
    %dma_start3A_13 = arith.constant 0 : i32
    %dma_start3A_14 = tpu.memref_slice %arg3[%dma_start3A_12, %dma_start3A_13] : memref<1000000x64xf32, #tpu.memory_space<hbm>> -> memref<1000000x64xf32, #tpu.memory_space<hbm>>
    tpu.enqueue_indirect_dma source(%dma_start3A_14 : memref<1000000x64xf32, #tpu.memory_space<hbm>>) target(%dma_start3A_9 : memref<104x64xf32, #tpu.memory_space<vmem>>) offsets(%dma_start3A_11 : memref<104xi32, #tpu.memory_space<vmem>>) semaphore(%arg13 : memref<!tpu.dma_semaphore, #tpu.memory_space<semaphore_mem>>)
    %dma_start3A_15 = arith.constant 104 : i32
    %dma_start3A_16 = arith.constant 0 : i32
    %dma_start3A_17 = tpu.memref_slice %arg8[%dma_start3A_15, %dma_start3A_16] : memref<200x64xf32, #tpu.memory_space<vmem>> -> memref<96x64xf32, #tpu.memory_space<vmem>>
    %dma_start3A_18 = arith.constant 104 : i32
    %dma_start3A_19 = tpu.memref_slice %arg7[%dma_start3A_18] : memref<8192xi32, #tpu.memory_space<vmem>> -> memref<96xi32, #tpu.memory_space<vmem>>
    %dma_start3A_20 = arith.constant 0 : i32
    %dma_start3A_21 = arith.constant 0 : i32
    %dma_start3A_22 = tpu.memref_slice %arg3[%dma_start3A_20, %dma_start3A_21] : memref<1000000x64xf32, #tpu.memory_space<hbm>> -> memref<1000000x64xf32, #tpu.memory_space<hbm>>
    tpu.enqueue_indirect_dma source(%dma_start3A_22 : memref<1000000x64xf32, #tpu.memory_space<hbm>>) target(%dma_start3A_17 : memref<96x64xf32, #tpu.memory_space<vmem>>) offsets(%dma_start3A_19 : memref<96xi32, #tpu.memory_space<vmem>>) semaphore(%arg13 : memref<!tpu.dma_semaphore, #tpu.memory_space<semaphore_mem>>)
    %dma_start3A_23 = arith.constant 0 : i32
    %dma_start3A_24 = arith.constant 0 : i32
    %dma_start3A_25 = tpu.memref_slice %arg9[%dma_start3A_23, %dma_start3A_24] : memref<200x64xf32, #tpu.memory_space<vmem>> -> memref<104x64xf32, #tpu.memory_space<vmem>>
    %dma_start3A_26 = arith.constant 256 : i32
    %dma_start3A_27 = tpu.memref_slice %arg7[%dma_start3A_26] : memref<8192xi32, #tpu.memory_space<vmem>> -> memref<104xi32, #tpu.memory_space<vmem>>
    %dma_start3A_28 = arith.constant 0 : i32
    %dma_start3A_29 = arith.constant 0 : i32
    %dma_start3A_30 = tpu.memref_slice %arg3[%dma_start3A_28, %dma_start3A_29] : memref<1000000x64xf32, #tpu.memory_space<hbm>> -> memref<1000000x64xf32, #tpu.memory_space<hbm>>
    tpu.enqueue_indirect_dma source(%dma_start3A_30 : memref<1000000x64xf32, #tpu.memory_space<hbm>>) target(%dma_start3A_25 : memref<104x64xf32, #tpu.memory_space<vmem>>) offsets(%dma_start3A_27 : memref<104xi32, #tpu.memory_space<vmem>>) semaphore(%arg14 : memref<!tpu.dma_semaphore, #tpu.memory_space<semaphore_mem>>)
    %dma_start3A_31 = arith.constant 104 : i32
    %dma_start3A_32 = arith.constant 0 : i32
    %dma_start3A_33 = tpu.memref_slice %arg9[%dma_start3A_31, %dma_start3A_32] : memref<200x64xf32, #tpu.memory_space<vmem>> -> memref<96x64xf32, #tpu.memory_space<vmem>>
    %dma_start3A_34 = arith.constant 360 : i32
    %dma_start3A_35 = tpu.memref_slice %arg7[%dma_start3A_34] : memref<8192xi32, #tpu.memory_space<vmem>> -> memref<96xi32, #tpu.memory_space<vmem>>
    %dma_start3A_36 = arith.constant 0 : i32
    %dma_start3A_37 = arith.constant 0 : i32
    %dma_start3A_38 = tpu.memref_slice %arg3[%dma_start3A_36, %dma_start3A_37] : memref<1000000x64xf32, #tpu.memory_space<hbm>> -> memref<1000000x64xf32, #tpu.memory_space<hbm>>
    tpu.enqueue_indirect_dma source(%dma_start3A_38 : memref<1000000x64xf32, #tpu.memory_space<hbm>>) target(%dma_start3A_33 : memref<96x64xf32, #tpu.memory_space<vmem>>) offsets(%dma_start3A_35 : memref<96xi32, #tpu.memory_space<vmem>>) semaphore(%arg14 : memref<!tpu.dma_semaphore, #tpu.memory_space<semaphore_mem>>)
    %scan3A_39 = arith.constant 0 : i32
    %scan3A_40 = arith.constant 0 : i32
    %scan3A_41 = arith.constant 16 : i32
    %scan3A_42 = arith.addi %scan3A_40, %scan3A_41 : i32
    %scan3A_43 = arith.constant 1 : i32
    scf.for %scan3A_60 = %scan3A_40 to %scan3A_42 step %scan3A_43  : i32 {
      %mul3A_61 = arith.constant 2 : i32
      %mul3A_62 = arith.muli %scan3A_60, %mul3A_61 : i32
      %add3A_63 = arith.constant 0 : i32
      %add3A_64 = arith.addi %mul3A_62, %add3A_63 : i32
      %dma_wait3A_65 = arith.constant 0 : i32
      %dma_wait3A_66 = arith.constant 0 : i32
      %dma_wait3A_67 = tpu.memref_slice %arg8[%dma_wait3A_65, %dma_wait3A_66] : memref<200x64xf32, #tpu.memory_space<vmem>> -> memref<104x64xf32, #tpu.memory_space<vmem>>
      %dma_wait3A_68 = arith.constant 0 : i32
      %dma_wait3A_69 = tpu.memref_slice %arg7[%dma_wait3A_68] : memref<8192xi32, #tpu.memory_space<vmem>> -> memref<104xi32, #tpu.memory_space<vmem>>
      %dma_wait3A_70 = arith.constant 0 : i32
      %dma_wait3A_71 = arith.constant 0 : i32
      %dma_wait3A_72 = tpu.memref_slice %arg3[%dma_wait3A_70, %dma_wait3A_71] : memref<1000000x64xf32, #tpu.memory_space<hbm>> -> memref<1000000x64xf32, #tpu.memory_space<hbm>>
      tpu.wait_indirect_dma semaphore(%arg13 : memref<!tpu.dma_semaphore, #tpu.memory_space<semaphore_mem>>) src(%dma_wait3A_72 : memref<1000000x64xf32, #tpu.memory_space<hbm>>) dst(%dma_wait3A_67 : memref<104x64xf32, #tpu.memory_space<vmem>>)
      %dma_wait3A_73 = arith.constant 104 : i32
      %dma_wait3A_74 = arith.constant 0 : i32
      %dma_wait3A_75 = tpu.memref_slice %arg8[%dma_wait3A_73, %dma_wait3A_74] : memref<200x64xf32, #tpu.memory_space<vmem>> -> memref<96x64xf32, #tpu.memory_space<vmem>>
      %dma_wait3A_76 = arith.constant 104 : i32
      %dma_wait3A_77 = tpu.memref_slice %arg7[%dma_wait3A_76] : memref<8192xi32, #tpu.memory_space<vmem>> -> memref<96xi32, #tpu.memory_space<vmem>>
      %dma_wait3A_78 = arith.constant 0 : i32
      %dma_wait3A_79 = arith.constant 0 : i32
      %dma_wait3A_80 = tpu.memref_slice %arg3[%dma_wait3A_78, %dma_wait3A_79] : memref<1000000x64xf32, #tpu.memory_space<hbm>> -> memref<1000000x64xf32, #tpu.memory_space<hbm>>
      tpu.wait_indirect_dma semaphore(%arg13 : memref<!tpu.dma_semaphore, #tpu.memory_space<semaphore_mem>>) src(%dma_wait3A_80 : memref<1000000x64xf32, #tpu.memory_space<hbm>>) dst(%dma_wait3A_75 : memref<96x64xf32, #tpu.memory_space<vmem>>)
      %gt3A = arith.constant 0 : i32
      %gt3A_81 = arith.cmpi sgt, %scan3A_60, %gt3A : i32
      %convert_element_type3A = arith.extui %gt3A_81 : i1 to i32
      %cond3A = arith.constant 0 : i32
      %cond3A_82 = arith.cmpi ne, %convert_element_type3A, %cond3A : i32
      scf.if %cond3A_82 {
        %add3A_143 = arith.addi %mul3A_2, %add3A_64 : i32
        %dma_wait3A_144 = arith.constant 0 : i32
        %dma_wait3A_145 = tpu.memref_slice %arg5[%add3A_143, %dma_wait3A_144] : memref<1024x12800xf32, #tpu.memory_space<hbm>> -> memref<1x12800xf32, #tpu.memory_space<hbm>>
        %dma_wait3A_146 = tpu.memref_squeeze %dma_wait3A_145 : memref<1x12800xf32, #tpu.memory_space<hbm>> -> memref<12800xf32, #tpu.memory_space<hbm>>
        %dma_wait3A_147 = arith.constant 0 : i32
        %dma_wait3A_148 = tpu.memref_slice %arg5[%add3A_143, %dma_wait3A_147] : memref<1024x12800xf32, #tpu.memory_space<hbm>> -> memref<1x12800xf32, #tpu.memory_space<hbm>>
        %dma_wait3A_149 = tpu.memref_squeeze %dma_wait3A_148 : memref<1x12800xf32, #tpu.memory_space<hbm>> -> memref<12800xf32, #tpu.memory_space<hbm>>
        tpu.wait_dma2 semaphore(%arg15 : memref<!tpu.dma_semaphore, #tpu.memory_space<semaphore_mem>>) src(%arg10 : memref<12800xf32, #tpu.memory_space<vmem>>) dst(%dma_wait3A_149 : memref<12800xf32, #tpu.memory_space<hbm>>)
      } else {
      }
      %scan3A_83 = arith.constant 0 : i32
      %scan3A_84 = arith.constant 0 : i32
      %scan3A_85 = arith.constant 100 : i32
      %scan3A_86 = arith.addi %scan3A_84, %scan3A_85 : i32
      %scan3A_87 = arith.constant 1 : i32
      scf.for %scan3A_143 = %scan3A_84 to %scan3A_86 step %scan3A_87  : i32 {
        %mul3A_144 = arith.constant 2 : i32
        %mul3A_145 = arith.muli %scan3A_143, %mul3A_144 : i32
        %mul3A_146 = arith.constant 64 : i32
        %mul3A_147 = arith.muli %mul3A_145, %mul3A_146 : i32
        %add3A_148 = arith.constant 0 : i32
        %add3A_149 = arith.addi %mul3A_145, %add3A_148 : i32
        %get3A = arith.index_cast %add3A_149 : i32 to index
        %get3A_150 = arith.constant 0 : index
        %get3A_151 = tpu.vector_load %arg8[%get3A, %get3A_150] {strides = array<i32>} : memref<200x64xf32, #tpu.memory_space<vmem>>, vector<16xf32>,
        %add3A_152 = arith.constant 0 : i32
        %add3A_153 = arith.addi %mul3A_145, %add3A_152 : i32
        %get3A_154 = arith.index_cast %add3A_153 : i32 to index
        %get3A_155 = arith.constant 16 : index
        %get3A_156 = tpu.vector_load %arg8[%get3A_154, %get3A_155] {strides = array<i32>} : memref<200x64xf32, #tpu.memory_space<vmem>>, vector<16xf32>,
        %add3A_157 = arith.constant 0 : i32
        %add3A_158 = arith.addi %mul3A_145, %add3A_157 : i32
        %get3A_159 = arith.index_cast %add3A_158 : i32 to index
        %get3A_160 = arith.constant 32 : index
        %get3A_161 = tpu.vector_load %arg8[%get3A_159, %get3A_160] {strides = array<i32>} : memref<200x64xf32, #tpu.memory_space<vmem>>, vector<16xf32>,
        %add3A_162 = arith.constant 0 : i32
        %add3A_163 = arith.addi %mul3A_145, %add3A_162 : i32
        %get3A_164 = arith.index_cast %add3A_163 : i32 to index
        %get3A_165 = arith.constant 48 : index
        %get3A_166 = tpu.vector_load %arg8[%get3A_164, %get3A_165] {strides = array<i32>} : memref<200x64xf32, #tpu.memory_space<vmem>>, vector<16xf32>,
        %add3A_167 = arith.constant 1 : i32
        %add3A_168 = arith.addi %mul3A_145, %add3A_167 : i32
        %get3A_169 = arith.index_cast %add3A_168 : i32 to index
        %get3A_170 = arith.constant 0 : index
        %get3A_171 = tpu.vector_load %arg8[%get3A_169, %get3A_170] {strides = array<i32>} : memref<200x64xf32, #tpu.memory_space<vmem>>, vector<16xf32>,
        %add3A_172 = arith.constant 1 : i32
        %add3A_173 = arith.addi %mul3A_145, %add3A_172 : i32
        %get3A_174 = arith.index_cast %add3A_173 : i32 to index
        %get3A_175 = arith.constant 16 : index
        %get3A_176 = tpu.vector_load %arg8[%get3A_174, %get3A_175] {strides = array<i32>} : memref<200x64xf32, #tpu.memory_space<vmem>>, vector<16xf32>,
        %add3A_177 = arith.constant 1 : i32
        %add3A_178 = arith.addi %mul3A_145, %add3A_177 : i32
        %get3A_179 = arith.index_cast %add3A_178 : i32 to index
        %get3A_180 = arith.constant 32 : index
        %get3A_181 = tpu.vector_load %arg8[%get3A_179, %get3A_180] {strides = array<i32>} : memref<200x64xf32, #tpu.memory_space<vmem>>, vector<16xf32>,
        %add3A_182 = arith.constant 1 : i32
        %add3A_183 = arith.addi %mul3A_145, %add3A_182 : i32
        %get3A_184 = arith.index_cast %add3A_183 : i32 to index
        %get3A_185 = arith.constant 48 : index
        %get3A_186 = tpu.vector_load %arg8[%get3A_184, %get3A_185] {strides = array<i32>} : memref<200x64xf32, #tpu.memory_space<vmem>>, vector<16xf32>,
        %add3A_187 = arith.constant 0 : i32
        %add3A_188 = arith.addi %mul3A_147, %add3A_187 : i32
        %get3A_189 = arith.index_cast %add3A_188 : i32 to index
        %get3A_190 = tpu.vector_load %arg12[%get3A_189] {strides = array<i32>} : memref<12800xf32, #tpu.memory_space<vmem>>, vector<16xf32>,
        %add3A_191 = arith.constant 16 : i32
        %add3A_192 = arith.addi %mul3A_147, %add3A_191 : i32
        %get3A_193 = arith.index_cast %add3A_192 : i32 to index
        %get3A_194 = tpu.vector_load %arg12[%get3A_193] {strides = array<i32>} : memref<12800xf32, #tpu.memory_space<vmem>>, vector<16xf32>,
        %add3A_195 = arith.constant 32 : i32
        %add3A_196 = arith.addi %mul3A_147, %add3A_195 : i32
        %get3A_197 = arith.index_cast %add3A_196 : i32 to index
        %get3A_198 = tpu.vector_load %arg12[%get3A_197] {strides = array<i32>} : memref<12800xf32, #tpu.memory_space<vmem>>, vector<16xf32>,
        %add3A_199 = arith.constant 48 : i32
        %add3A_200 = arith.addi %mul3A_147, %add3A_199 : i32
        %get3A_201 = arith.index_cast %add3A_200 : i32 to index
        %get3A_202 = tpu.vector_load %arg12[%get3A_201] {strides = array<i32>} : memref<12800xf32, #tpu.memory_space<vmem>>, vector<16xf32>,
        %add3A_203 = arith.constant 64 : i32
        %add3A_204 = arith.addi %mul3A_147, %add3A_203 : i32
        %get3A_205 = arith.index_cast %add3A_204 : i32 to index
        %get3A_206 = tpu.vector_load %arg12[%get3A_205] {strides = array<i32>} : memref<12800xf32, #tpu.memory_space<vmem>>, vector<16xf32>,
        %add3A_207 = arith.constant 80 : i32
        %add3A_208 = arith.addi %mul3A_147, %add3A_207 : i32
        %get3A_209 = arith.index_cast %add3A_208 : i32 to index
        %get3A_210 = tpu.vector_load %arg12[%get3A_209] {strides = array<i32>} : memref<12800xf32, #tpu.memory_space<vmem>>, vector<16xf32>,
        %add3A_211 = arith.constant 96 : i32
        %add3A_212 = arith.addi %mul3A_147, %add3A_211 : i32
        %get3A_213 = arith.index_cast %add3A_212 : i32 to index
        %get3A_214 = tpu.vector_load %arg12[%get3A_213] {strides = array<i32>} : memref<12800xf32, #tpu.memory_space<vmem>>, vector<16xf32>,
        %add3A_215 = arith.constant 112 : i32
        %add3A_216 = arith.addi %mul3A_147, %add3A_215 : i32
        %get3A_217 = arith.index_cast %add3A_216 : i32 to index
        %get3A_218 = tpu.vector_load %arg12[%get3A_217] {strides = array<i32>} : memref<12800xf32, #tpu.memory_space<vmem>>, vector<16xf32>,
        %mul3A_219 = arith.constant 8.000000e+00 : f32
        %mul3A_220 = vector.broadcast %mul3A_219 : f32 to vector<16xf32>
        %mul3A_221 = arith.mulf %get3A_151, %mul3A_220 : vector<16xf32>
        %add3A_222 = arith.addf %mul3A_221, %get3A_190 : vector<16xf32>
        %mul3A_223 = arith.constant 8.000000e+00 : f32
        %mul3A_224 = vector.broadcast %mul3A_223 : f32 to vector<16xf32>
        %mul3A_225 = arith.mulf %get3A_156, %mul3A_224 : vector<16xf32>
        %add3A_226 = arith.addf %mul3A_225, %get3A_194 : vector<16xf32>
        %mul3A_227 = arith.constant 8.000000e+00 : f32
        %mul3A_228 = vector.broadcast %mul3A_227 : f32 to vector<16xf32>
        %mul3A_229 = arith.mulf %get3A_161, %mul3A_228 : vector<16xf32>
        %add3A_230 = arith.addf %mul3A_229, %get3A_198 : vector<16xf32>
        %mul3A_231 = arith.constant 8.000000e+00 : f32
        %mul3A_232 = vector.broadcast %mul3A_231 : f32 to vector<16xf32>
        %mul3A_233 = arith.mulf %get3A_166, %mul3A_232 : vector<16xf32>
        %add3A_234 = arith.addf %mul3A_233, %get3A_202 : vector<16xf32>
        %mul3A_235 = arith.constant 8.000000e+00 : f32
        %mul3A_236 = vector.broadcast %mul3A_235 : f32 to vector<16xf32>
        %mul3A_237 = arith.mulf %get3A_171, %mul3A_236 : vector<16xf32>
        %add3A_238 = arith.addf %mul3A_237, %get3A_206 : vector<16xf32>
        %mul3A_239 = arith.constant 8.000000e+00 : f32
        %mul3A_240 = vector.broadcast %mul3A_239 : f32 to vector<16xf32>
        %mul3A_241 = arith.mulf %get3A_176, %mul3A_240 : vector<16xf32>
        %add3A_242 = arith.addf %mul3A_241, %get3A_210 : vector<16xf32>
        %mul3A_243 = arith.constant 8.000000e+00 : f32
        %mul3A_244 = vector.broadcast %mul3A_243 : f32 to vector<16xf32>
        %mul3A_245 = arith.mulf %get3A_181, %mul3A_244 : vector<16xf32>
        %add3A_246 = arith.addf %mul3A_245, %get3A_214 : vector<16xf32>
        %mul3A_247 = arith.constant 8.000000e+00 : f32
        %mul3A_248 = vector.broadcast %mul3A_247 : f32 to vector<16xf32>
        %mul3A_249 = arith.mulf %get3A_186, %mul3A_248 : vector<16xf32>
        %add3A_250 = arith.addf %mul3A_249, %get3A_218 : vector<16xf32>
        %add3A_251 = arith.constant 0 : i32
        %add3A_252 = arith.addi %mul3A_147, %add3A_251 : i32
        %swap3A = arith.index_cast %add3A_252 : i32 to index
        %swap3A_253 = tpu.vector_load %arg10[%swap3A] {strides = array<i32>} : memref<12800xf32, #tpu.memory_space<vmem>>, vector<16xf32>,
        tpu.vector_store %arg10[%swap3A], %add3A_222 {strides = array<i32>} : memref<12800xf32, #tpu.memory_space<vmem>>, vector<16xf32>,
        %add3A_254 = arith.constant 16 : i32
        %add3A_255 = arith.addi %mul3A_147, %add3A_254 : i32
        %swap3A_256 = arith.index_cast %add3A_255 : i32 to index
        %swap3A_257 = tpu.vector_load %arg10[%swap3A_256] {strides = array<i32>} : memref<12800xf32, #tpu.memory_space<vmem>>, vector<16xf32>,
        tpu.vector_store %arg10[%swap3A_256], %add3A_226 {strides = array<i32>} : memref<12800xf32, #tpu.memory_space<vmem>>, vector<16xf32>,
        %add3A_258 = arith.constant 32 : i32
        %add3A_259 = arith.addi %mul3A_147, %add3A_258 : i32
        %swap3A_260 = arith.index_cast %add3A_259 : i32 to index
        %swap3A_261 = tpu.vector_load %arg10[%swap3A_260] {strides = array<i32>} : memref<12800xf32, #tpu.memory_space<vmem>>, vector<16xf32>,
        tpu.vector_store %arg10[%swap3A_260], %add3A_230 {strides = array<i32>} : memref<12800xf32, #tpu.memory_space<vmem>>, vector<16xf32>,
        %add3A_262 = arith.constant 48 : i32
        %add3A_263 = arith.addi %mul3A_147, %add3A_262 : i32
        %swap3A_264 = arith.index_cast %add3A_263 : i32 to index
        %swap3A_265 = tpu.vector_load %arg10[%swap3A_264] {strides = array<i32>} : memref<12800xf32, #tpu.memory_space<vmem>>, vector<16xf32>,
        tpu.vector_store %arg10[%swap3A_264], %add3A_234 {strides = array<i32>} : memref<12800xf32, #tpu.memory_space<vmem>>, vector<16xf32>,
        %add3A_266 = arith.constant 64 : i32
        %add3A_267 = arith.addi %mul3A_147, %add3A_266 : i32
        %swap3A_268 = arith.index_cast %add3A_267 : i32 to index
        %swap3A_269 = tpu.vector_load %arg10[%swap3A_268] {strides = array<i32>} : memref<12800xf32, #tpu.memory_space<vmem>>, vector<16xf32>,
        tpu.vector_store %arg10[%swap3A_268], %add3A_238 {strides = array<i32>} : memref<12800xf32, #tpu.memory_space<vmem>>, vector<16xf32>,
        %add3A_270 = arith.constant 80 : i32
        %add3A_271 = arith.addi %mul3A_147, %add3A_270 : i32
        %swap3A_272 = arith.index_cast %add3A_271 : i32 to index
        %swap3A_273 = tpu.vector_load %arg10[%swap3A_272] {strides = array<i32>} : memref<12800xf32, #tpu.memory_space<vmem>>, vector<16xf32>,
        tpu.vector_store %arg10[%swap3A_272], %add3A_242 {strides = array<i32>} : memref<12800xf32, #tpu.memory_space<vmem>>, vector<16xf32>,
        %add3A_274 = arith.constant 96 : i32
        %add3A_275 = arith.addi %mul3A_147, %add3A_274 : i32
        %swap3A_276 = arith.index_cast %add3A_275 : i32 to index
        %swap3A_277 = tpu.vector_load %arg10[%swap3A_276] {strides = array<i32>} : memref<12800xf32, #tpu.memory_space<vmem>>, vector<16xf32>,
        tpu.vector_store %arg10[%swap3A_276], %add3A_246 {strides = array<i32>} : memref<12800xf32, #tpu.memory_space<vmem>>, vector<16xf32>,
        %add3A_278 = arith.constant 112 : i32
        %add3A_279 = arith.addi %mul3A_147, %add3A_278 : i32
        %swap3A_280 = arith.index_cast %add3A_279 : i32 to index
        %swap3A_281 = tpu.vector_load %arg10[%swap3A_280] {strides = array<i32>} : memref<12800xf32, #tpu.memory_space<vmem>>, vector<16xf32>,
        tpu.vector_store %arg10[%swap3A_280], %add3A_250 {strides = array<i32>} : memref<12800xf32, #tpu.memory_space<vmem>>, vector<16xf32>,
      }
      %scan3A_88 = arith.constant 100 : i32
      %add3A_89 = arith.addi %mul3A_2, %add3A_64 : i32
      %dma_start3A_90 = arith.constant 0 : i32
      %dma_start3A_91 = tpu.memref_slice %arg5[%add3A_89, %dma_start3A_90] : memref<1024x12800xf32, #tpu.memory_space<hbm>> -> memref<1x12800xf32, #tpu.memory_space<hbm>>
      %dma_start3A_92 = tpu.memref_squeeze %dma_start3A_91 : memref<1x12800xf32, #tpu.memory_space<hbm>> -> memref<12800xf32, #tpu.memory_space<hbm>>
      %dma_start3A_93 = arith.constant 0 : i32
      %dma_start3A_94 = tpu.memref_slice %arg5[%add3A_89, %dma_start3A_93] : memref<1024x12800xf32, #tpu.memory_space<hbm>> -> memref<1x12800xf32, #tpu.memory_space<hbm>>
      %dma_start3A_95 = tpu.memref_squeeze %dma_start3A_94 : memref<1x12800xf32, #tpu.memory_space<hbm>> -> memref<12800xf32, #tpu.memory_space<hbm>>
      tpu.enqueue_dma source(%arg10 : memref<12800xf32, #tpu.memory_space<vmem>>) target(%dma_start3A_95 : memref<12800xf32, #tpu.memory_space<hbm>>) target_semaphore(%arg15 : memref<!tpu.dma_semaphore, #tpu.memory_space<semaphore_mem>>)
      %lt3A = arith.constant 15 : i32
      %lt3A_96 = arith.cmpi slt, %scan3A_60, %lt3A : i32
      %convert_element_type3A_97 = arith.extui %lt3A_96 : i1 to i32
      %cond3A_98 = arith.constant 0 : i32
      %cond3A_99 = arith.cmpi ne, %convert_element_type3A_97, %cond3A_98 : i32
      scf.if %cond3A_99 {
        %add3A_143 = arith.constant 2 : i32
        %add3A_144 = arith.addi %add3A_64, %add3A_143 : i32
        %mul3A_145 = arith.constant 256 : i32
        %mul3A_146 = arith.muli %add3A_144, %mul3A_145 : i32
        %add3A_147 = arith.constant 0 : i32
        %add3A_148 = arith.addi %mul3A_146, %add3A_147 : i32
        %dma_start3A_149 = arith.constant 0 : i32
        %dma_start3A_150 = arith.constant 0 : i32
        %dma_start3A_151 = tpu.memref_slice %arg8[%dma_start3A_149, %dma_start3A_150] : memref<200x64xf32, #tpu.memory_space<vmem>> -> memref<104x64xf32, #tpu.memory_space<vmem>>
        %dma_start3A_152 = tpu.memref_slice %arg7[%add3A_148] : memref<8192xi32, #tpu.memory_space<vmem>> -> memref<104xi32, #tpu.memory_space<vmem>>
        %dma_start3A_153 = arith.constant 0 : i32
        %dma_start3A_154 = arith.constant 0 : i32
        %dma_start3A_155 = tpu.memref_slice %arg3[%dma_start3A_153, %dma_start3A_154] : memref<1000000x64xf32, #tpu.memory_space<hbm>> -> memref<1000000x64xf32, #tpu.memory_space<hbm>>
        tpu.enqueue_indirect_dma source(%dma_start3A_155 : memref<1000000x64xf32, #tpu.memory_space<hbm>>) target(%dma_start3A_151 : memref<104x64xf32, #tpu.memory_space<vmem>>) offsets(%dma_start3A_152 : memref<104xi32, #tpu.memory_space<vmem>>) semaphore(%arg13 : memref<!tpu.dma_semaphore, #tpu.memory_space<semaphore_mem>>)
        %mul3A_156 = arith.constant 256 : i32
        %mul3A_157 = arith.muli %add3A_144, %mul3A_156 : i32
        %add3A_158 = arith.constant 104 : i32
        %add3A_159 = arith.addi %mul3A_157, %add3A_158 : i32
        %dma_start3A_160 = arith.constant 104 : i32
        %dma_start3A_161 = arith.constant 0 : i32
        %dma_start3A_162 = tpu.memref_slice %arg8[%dma_start3A_160, %dma_start3A_161] : memref<200x64xf32, #tpu.memory_space<vmem>> -> memref<96x64xf32, #tpu.memory_space<vmem>>
        %dma_start3A_163 = tpu.memref_slice %arg7[%add3A_159] : memref<8192xi32, #tpu.memory_space<vmem>> -> memref<96xi32, #tpu.memory_space<vmem>>
        %dma_start3A_164 = arith.constant 0 : i32
        %dma_start3A_165 = arith.constant 0 : i32
        %dma_start3A_166 = tpu.memref_slice %arg3[%dma_start3A_164, %dma_start3A_165] : memref<1000000x64xf32, #tpu.memory_space<hbm>> -> memref<1000000x64xf32, #tpu.memory_space<hbm>>
        tpu.enqueue_indirect_dma source(%dma_start3A_166 : memref<1000000x64xf32, #tpu.memory_space<hbm>>) target(%dma_start3A_162 : memref<96x64xf32, #tpu.memory_space<vmem>>) offsets(%dma_start3A_163 : memref<96xi32, #tpu.memory_space<vmem>>) semaphore(%arg13 : memref<!tpu.dma_semaphore, #tpu.memory_space<semaphore_mem>>)
      } else {
      }
      %mul3A_100 = arith.constant 2 : i32
      %mul3A_101 = arith.muli %scan3A_60, %mul3A_100 : i32
      %add3A_102 = arith.constant 1 : i32
      %add3A_103 = arith.addi %mul3A_101, %add3A_102 : i32
      %dma_wait3A_104 = arith.constant 0 : i32
      %dma_wait3A_105 = arith.constant 0 : i32
      %dma_wait3A_106 = tpu.memref_slice %arg9[%dma_wait3A_104, %dma_wait3A_105] : memref<200x64xf32, #tpu.memory_space<vmem>> -> memref<104x64xf32, #tpu.memory_space<vmem>>
      %dma_wait3A_107 = arith.constant 0 : i32
      %dma_wait3A_108 = tpu.memref_slice %arg7[%dma_wait3A_107] : memref<8192xi32, #tpu.memory_space<vmem>> -> memref<104xi32, #tpu.memory_space<vmem>>
      %dma_wait3A_109 = arith.constant 0 : i32
      %dma_wait3A_110 = arith.constant 0 : i32
      %dma_wait3A_111 = tpu.memref_slice %arg3[%dma_wait3A_109, %dma_wait3A_110] : memref<1000000x64xf32, #tpu.memory_space<hbm>> -> memref<1000000x64xf32, #tpu.memory_space<hbm>>
      tpu.wait_indirect_dma semaphore(%arg14 : memref<!tpu.dma_semaphore, #tpu.memory_space<semaphore_mem>>) src(%dma_wait3A_111 : memref<1000000x64xf32, #tpu.memory_space<hbm>>) dst(%dma_wait3A_106 : memref<104x64xf32, #tpu.memory_space<vmem>>)
      %dma_wait3A_112 = arith.constant 104 : i32
      %dma_wait3A_113 = arith.constant 0 : i32
      %dma_wait3A_114 = tpu.memref_slice %arg9[%dma_wait3A_112, %dma_wait3A_113] : memref<200x64xf32, #tpu.memory_space<vmem>> -> memref<96x64xf32, #tpu.memory_space<vmem>>
      %dma_wait3A_115 = arith.constant 104 : i32
      %dma_wait3A_116 = tpu.memref_slice %arg7[%dma_wait3A_115] : memref<8192xi32, #tpu.memory_space<vmem>> -> memref<96xi32, #tpu.memory_space<vmem>>
      %dma_wait3A_117 = arith.constant 0 : i32
      %dma_wait3A_118 = arith.constant 0 : i32
      %dma_wait3A_119 = tpu.memref_slice %arg3[%dma_wait3A_117, %dma_wait3A_118] : memref<1000000x64xf32, #tpu.memory_space<hbm>> -> memref<1000000x64xf32, #tpu.memory_space<hbm>>
      tpu.wait_indirect_dma semaphore(%arg14 : memref<!tpu.dma_semaphore, #tpu.memory_space<semaphore_mem>>) src(%dma_wait3A_119 : memref<1000000x64xf32, #tpu.memory_space<hbm>>) dst(%dma_wait3A_114 : memref<96x64xf32, #tpu.memory_space<vmem>>)
      %gt3A_120 = arith.constant 0 : i32
      %gt3A_121 = arith.cmpi sgt, %scan3A_60, %gt3A_120 : i32
      %convert_element_type3A_122 = arith.extui %gt3A_121 : i1 to i32
      %cond3A_123 = arith.constant 0 : i32
      %cond3A_124 = arith.cmpi ne, %convert_element_type3A_122, %cond3A_123 : i32
      scf.if %cond3A_124 {
        %add3A_143 = arith.addi %mul3A_2, %add3A_103 : i32
        %dma_wait3A_144 = arith.constant 0 : i32
        %dma_wait3A_145 = tpu.memref_slice %arg5[%add3A_143, %dma_wait3A_144] : memref<1024x12800xf32, #tpu.memory_space<hbm>> -> memref<1x12800xf32, #tpu.memory_space<hbm>>
        %dma_wait3A_146 = tpu.memref_squeeze %dma_wait3A_145 : memref<1x12800xf32, #tpu.memory_space<hbm>> -> memref<12800xf32, #tpu.memory_space<hbm>>
        %dma_wait3A_147 = arith.constant 0 : i32
        %dma_wait3A_148 = tpu.memref_slice %arg5[%add3A_143, %dma_wait3A_147] : memref<1024x12800xf32, #tpu.memory_space<hbm>> -> memref<1x12800xf32, #tpu.memory_space<hbm>>
        %dma_wait3A_149 = tpu.memref_squeeze %dma_wait3A_148 : memref<1x12800xf32, #tpu.memory_space<hbm>> -> memref<12800xf32, #tpu.memory_space<hbm>>
        tpu.wait_dma2 semaphore(%arg16 : memref<!tpu.dma_semaphore, #tpu.memory_space<semaphore_mem>>) src(%arg11 : memref<12800xf32, #tpu.memory_space<vmem>>) dst(%dma_wait3A_149 : memref<12800xf32, #tpu.memory_space<hbm>>)
      } else {
      }
      %scan3A_125 = arith.constant 0 : i32
      %scan3A_126 = arith.constant 0 : i32
      %scan3A_127 = arith.constant 100 : i32
      %scan3A_128 = arith.addi %scan3A_126, %scan3A_127 : i32
      %scan3A_129 = arith.constant 1 : i32
      scf.for %scan3A_143 = %scan3A_126 to %scan3A_128 step %scan3A_129  : i32 {
        %mul3A_144 = arith.constant 2 : i32
        %mul3A_145 = arith.muli %scan3A_143, %mul3A_144 : i32
        %mul3A_146 = arith.constant 64 : i32
        %mul3A_147 = arith.muli %mul3A_145, %mul3A_146 : i32
        %add3A_148 = arith.constant 0 : i32
        %add3A_149 = arith.addi %mul3A_145, %add3A_148 : i32
        %get3A = arith.index_cast %add3A_149 : i32 to index
        %get3A_150 = arith.constant 0 : index
        %get3A_151 = tpu.vector_load %arg9[%get3A, %get3A_150] {strides = array<i32>} : memref<200x64xf32, #tpu.memory_space<vmem>>, vector<16xf32>,
        %add3A_152 = arith.constant 0 : i32
        %add3A_153 = arith.addi %mul3A_145, %add3A_152 : i32
        %get3A_154 = arith.index_cast %add3A_153 : i32 to index
        %get3A_155 = arith.constant 16 : index
        %get3A_156 = tpu.vector_load %arg9[%get3A_154, %get3A_155] {strides = array<i32>} : memref<200x64xf32, #tpu.memory_space<vmem>>, vector<16xf32>,
        %add3A_157 = arith.constant 0 : i32
        %add3A_158 = arith.addi %mul3A_145, %add3A_157 : i32
        %get3A_159 = arith.index_cast %add3A_158 : i32 to index
        %get3A_160 = arith.constant 32 : index
        %get3A_161 = tpu.vector_load %arg9[%get3A_159, %get3A_160] {strides = array<i32>} : memref<200x64xf32, #tpu.memory_space<vmem>>, vector<16xf32>,
        %add3A_162 = arith.constant 0 : i32
        %add3A_163 = arith.addi %mul3A_145, %add3A_162 : i32
        %get3A_164 = arith.index_cast %add3A_163 : i32 to index
        %get3A_165 = arith.constant 48 : index
        %get3A_166 = tpu.vector_load %arg9[%get3A_164, %get3A_165] {strides = array<i32>} : memref<200x64xf32, #tpu.memory_space<vmem>>, vector<16xf32>,
        %add3A_167 = arith.constant 1 : i32
        %add3A_168 = arith.addi %mul3A_145, %add3A_167 : i32
        %get3A_169 = arith.index_cast %add3A_168 : i32 to index
        %get3A_170 = arith.constant 0 : index
        %get3A_171 = tpu.vector_load %arg9[%get3A_169, %get3A_170] {strides = array<i32>} : memref<200x64xf32, #tpu.memory_space<vmem>>, vector<16xf32>,
        %add3A_172 = arith.constant 1 : i32
        %add3A_173 = arith.addi %mul3A_145, %add3A_172 : i32
        %get3A_174 = arith.index_cast %add3A_173 : i32 to index
        %get3A_175 = arith.constant 16 : index
        %get3A_176 = tpu.vector_load %arg9[%get3A_174, %get3A_175] {strides = array<i32>} : memref<200x64xf32, #tpu.memory_space<vmem>>, vector<16xf32>,
        %add3A_177 = arith.constant 1 : i32
        %add3A_178 = arith.addi %mul3A_145, %add3A_177 : i32
        %get3A_179 = arith.index_cast %add3A_178 : i32 to index
        %get3A_180 = arith.constant 32 : index
        %get3A_181 = tpu.vector_load %arg9[%get3A_179, %get3A_180] {strides = array<i32>} : memref<200x64xf32, #tpu.memory_space<vmem>>, vector<16xf32>,
        %add3A_182 = arith.constant 1 : i32
        %add3A_183 = arith.addi %mul3A_145, %add3A_182 : i32
        %get3A_184 = arith.index_cast %add3A_183 : i32 to index
        %get3A_185 = arith.constant 48 : index
        %get3A_186 = tpu.vector_load %arg9[%get3A_184, %get3A_185] {strides = array<i32>} : memref<200x64xf32, #tpu.memory_space<vmem>>, vector<16xf32>,
        %add3A_187 = arith.constant 0 : i32
        %add3A_188 = arith.addi %mul3A_147, %add3A_187 : i32
        %get3A_189 = arith.index_cast %add3A_188 : i32 to index
        %get3A_190 = tpu.vector_load %arg12[%get3A_189] {strides = array<i32>} : memref<12800xf32, #tpu.memory_space<vmem>>, vector<16xf32>,
        %add3A_191 = arith.constant 16 : i32
        %add3A_192 = arith.addi %mul3A_147, %add3A_191 : i32
        %get3A_193 = arith.index_cast %add3A_192 : i32 to index
        %get3A_194 = tpu.vector_load %arg12[%get3A_193] {strides = array<i32>} : memref<12800xf32, #tpu.memory_space<vmem>>, vector<16xf32>,
        %add3A_195 = arith.constant 32 : i32
        %add3A_196 = arith.addi %mul3A_147, %add3A_195 : i32
        %get3A_197 = arith.index_cast %add3A_196 : i32 to index
        %get3A_198 = tpu.vector_load %arg12[%get3A_197] {strides = array<i32>} : memref<12800xf32, #tpu.memory_space<vmem>>, vector<16xf32>,
        %add3A_199 = arith.constant 48 : i32
        %add3A_200 = arith.addi %mul3A_147, %add3A_199 : i32
        %get3A_201 = arith.index_cast %add3A_200 : i32 to index
        %get3A_202 = tpu.vector_load %arg12[%get3A_201] {strides = array<i32>} : memref<12800xf32, #tpu.memory_space<vmem>>, vector<16xf32>,
        %add3A_203 = arith.constant 64 : i32
        %add3A_204 = arith.addi %mul3A_147, %add3A_203 : i32
        %get3A_205 = arith.index_cast %add3A_204 : i32 to index
        %get3A_206 = tpu.vector_load %arg12[%get3A_205] {strides = array<i32>} : memref<12800xf32, #tpu.memory_space<vmem>>, vector<16xf32>,
        %add3A_207 = arith.constant 80 : i32
        %add3A_208 = arith.addi %mul3A_147, %add3A_207 : i32
        %get3A_209 = arith.index_cast %add3A_208 : i32 to index
        %get3A_210 = tpu.vector_load %arg12[%get3A_209] {strides = array<i32>} : memref<12800xf32, #tpu.memory_space<vmem>>, vector<16xf32>,
        %add3A_211 = arith.constant 96 : i32
        %add3A_212 = arith.addi %mul3A_147, %add3A_211 : i32
        %get3A_213 = arith.index_cast %add3A_212 : i32 to index
        %get3A_214 = tpu.vector_load %arg12[%get3A_213] {strides = array<i32>} : memref<12800xf32, #tpu.memory_space<vmem>>, vector<16xf32>,
        %add3A_215 = arith.constant 112 : i32
        %add3A_216 = arith.addi %mul3A_147, %add3A_215 : i32
        %get3A_217 = arith.index_cast %add3A_216 : i32 to index
        %get3A_218 = tpu.vector_load %arg12[%get3A_217] {strides = array<i32>} : memref<12800xf32, #tpu.memory_space<vmem>>, vector<16xf32>,
        %mul3A_219 = arith.constant 8.000000e+00 : f32
        %mul3A_220 = vector.broadcast %mul3A_219 : f32 to vector<16xf32>
        %mul3A_221 = arith.mulf %get3A_151, %mul3A_220 : vector<16xf32>
        %add3A_222 = arith.addf %mul3A_221, %get3A_190 : vector<16xf32>
        %mul3A_223 = arith.constant 8.000000e+00 : f32
        %mul3A_224 = vector.broadcast %mul3A_223 : f32 to vector<16xf32>
        %mul3A_225 = arith.mulf %get3A_156, %mul3A_224 : vector<16xf32>
        %add3A_226 = arith.addf %mul3A_225, %get3A_194 : vector<16xf32>
        %mul3A_227 = arith.constant 8.000000e+00 : f32
        %mul3A_228 = vector.broadcast %mul3A_227 : f32 to vector<16xf32>
        %mul3A_229 = arith.mulf %get3A_161, %mul3A_228 : vector<16xf32>
        %add3A_230 = arith.addf %mul3A_229, %get3A_198 : vector<16xf32>
        %mul3A_231 = arith.constant 8.000000e+00 : f32
        %mul3A_232 = vector.broadcast %mul3A_231 : f32 to vector<16xf32>
        %mul3A_233 = arith.mulf %get3A_166, %mul3A_232 : vector<16xf32>
        %add3A_234 = arith.addf %mul3A_233, %get3A_202 : vector<16xf32>
        %mul3A_235 = arith.constant 8.000000e+00 : f32
        %mul3A_236 = vector.broadcast %mul3A_235 : f32 to vector<16xf32>
        %mul3A_237 = arith.mulf %get3A_171, %mul3A_236 : vector<16xf32>
        %add3A_238 = arith.addf %mul3A_237, %get3A_206 : vector<16xf32>
        %mul3A_239 = arith.constant 8.000000e+00 : f32
        %mul3A_240 = vector.broadcast %mul3A_239 : f32 to vector<16xf32>
        %mul3A_241 = arith.mulf %get3A_176, %mul3A_240 : vector<16xf32>
        %add3A_242 = arith.addf %mul3A_241, %get3A_210 : vector<16xf32>
        %mul3A_243 = arith.constant 8.000000e+00 : f32
        %mul3A_244 = vector.broadcast %mul3A_243 : f32 to vector<16xf32>
        %mul3A_245 = arith.mulf %get3A_181, %mul3A_244 : vector<16xf32>
        %add3A_246 = arith.addf %mul3A_245, %get3A_214 : vector<16xf32>
        %mul3A_247 = arith.constant 8.000000e+00 : f32
        %mul3A_248 = vector.broadcast %mul3A_247 : f32 to vector<16xf32>
        %mul3A_249 = arith.mulf %get3A_186, %mul3A_248 : vector<16xf32>
        %add3A_250 = arith.addf %mul3A_249, %get3A_218 : vector<16xf32>
        %add3A_251 = arith.constant 0 : i32
        %add3A_252 = arith.addi %mul3A_147, %add3A_251 : i32
        %swap3A = arith.index_cast %add3A_252 : i32 to index
        %swap3A_253 = tpu.vector_load %arg11[%swap3A] {strides = array<i32>} : memref<12800xf32, #tpu.memory_space<vmem>>, vector<16xf32>,
        tpu.vector_store %arg11[%swap3A], %add3A_222 {strides = array<i32>} : memref<12800xf32, #tpu.memory_space<vmem>>, vector<16xf32>,
        %add3A_254 = arith.constant 16 : i32
        %add3A_255 = arith.addi %mul3A_147, %add3A_254 : i32
        %swap3A_256 = arith.index_cast %add3A_255 : i32 to index
        %swap3A_257 = tpu.vector_load %arg11[%swap3A_256] {strides = array<i32>} : memref<12800xf32, #tpu.memory_space<vmem>>, vector<16xf32>,
        tpu.vector_store %arg11[%swap3A_256], %add3A_226 {strides = array<i32>} : memref<12800xf32, #tpu.memory_space<vmem>>, vector<16xf32>,
        %add3A_258 = arith.constant 32 : i32
        %add3A_259 = arith.addi %mul3A_147, %add3A_258 : i32
        %swap3A_260 = arith.index_cast %add3A_259 : i32 to index
        %swap3A_261 = tpu.vector_load %arg11[%swap3A_260] {strides = array<i32>} : memref<12800xf32, #tpu.memory_space<vmem>>, vector<16xf32>,
        tpu.vector_store %arg11[%swap3A_260], %add3A_230 {strides = array<i32>} : memref<12800xf32, #tpu.memory_space<vmem>>, vector<16xf32>,
        %add3A_262 = arith.constant 48 : i32
        %add3A_263 = arith.addi %mul3A_147, %add3A_262 : i32
        %swap3A_264 = arith.index_cast %add3A_263 : i32 to index
        %swap3A_265 = tpu.vector_load %arg11[%swap3A_264] {strides = array<i32>} : memref<12800xf32, #tpu.memory_space<vmem>>, vector<16xf32>,
        tpu.vector_store %arg11[%swap3A_264], %add3A_234 {strides = array<i32>} : memref<12800xf32, #tpu.memory_space<vmem>>, vector<16xf32>,
        %add3A_266 = arith.constant 64 : i32
        %add3A_267 = arith.addi %mul3A_147, %add3A_266 : i32
        %swap3A_268 = arith.index_cast %add3A_267 : i32 to index
        %swap3A_269 = tpu.vector_load %arg11[%swap3A_268] {strides = array<i32>} : memref<12800xf32, #tpu.memory_space<vmem>>, vector<16xf32>,
        tpu.vector_store %arg11[%swap3A_268], %add3A_238 {strides = array<i32>} : memref<12800xf32, #tpu.memory_space<vmem>>, vector<16xf32>,
        %add3A_270 = arith.constant 80 : i32
        %add3A_271 = arith.addi %mul3A_147, %add3A_270 : i32
        %swap3A_272 = arith.index_cast %add3A_271 : i32 to index
        %swap3A_273 = tpu.vector_load %arg11[%swap3A_272] {strides = array<i32>} : memref<12800xf32, #tpu.memory_space<vmem>>, vector<16xf32>,
        tpu.vector_store %arg11[%swap3A_272], %add3A_242 {strides = array<i32>} : memref<12800xf32, #tpu.memory_space<vmem>>, vector<16xf32>,
        %add3A_274 = arith.constant 96 : i32
        %add3A_275 = arith.addi %mul3A_147, %add3A_274 : i32
        %swap3A_276 = arith.index_cast %add3A_275 : i32 to index
        %swap3A_277 = tpu.vector_load %arg11[%swap3A_276] {strides = array<i32>} : memref<12800xf32, #tpu.memory_space<vmem>>, vector<16xf32>,
        tpu.vector_store %arg11[%swap3A_276], %add3A_246 {strides = array<i32>} : memref<12800xf32, #tpu.memory_space<vmem>>, vector<16xf32>,
        %add3A_278 = arith.constant 112 : i32
        %add3A_279 = arith.addi %mul3A_147, %add3A_278 : i32
        %swap3A_280 = arith.index_cast %add3A_279 : i32 to index
        %swap3A_281 = tpu.vector_load %arg11[%swap3A_280] {strides = array<i32>} : memref<12800xf32, #tpu.memory_space<vmem>>, vector<16xf32>,
        tpu.vector_store %arg11[%swap3A_280], %add3A_250 {strides = array<i32>} : memref<12800xf32, #tpu.memory_space<vmem>>, vector<16xf32>,
      }
      %scan3A_130 = arith.constant 100 : i32
      %add3A_131 = arith.addi %mul3A_2, %add3A_103 : i32
      %dma_start3A_132 = arith.constant 0 : i32
      %dma_start3A_133 = tpu.memref_slice %arg5[%add3A_131, %dma_start3A_132] : memref<1024x12800xf32, #tpu.memory_space<hbm>> -> memref<1x12800xf32, #tpu.memory_space<hbm>>
      %dma_start3A_134 = tpu.memref_squeeze %dma_start3A_133 : memref<1x12800xf32, #tpu.memory_space<hbm>> -> memref<12800xf32, #tpu.memory_space<hbm>>
      %dma_start3A_135 = arith.constant 0 : i32
      %dma_start3A_136 = tpu.memref_slice %arg5[%add3A_131, %dma_start3A_135] : memref<1024x12800xf32, #tpu.memory_space<hbm>> -> memref<1x12800xf32, #tpu.memory_space<hbm>>
      %dma_start3A_137 = tpu.memref_squeeze %dma_start3A_136 : memref<1x12800xf32, #tpu.memory_space<hbm>> -> memref<12800xf32, #tpu.memory_space<hbm>>
      tpu.enqueue_dma source(%arg11 : memref<12800xf32, #tpu.memory_space<vmem>>) target(%dma_start3A_137 : memref<12800xf32, #tpu.memory_space<hbm>>) target_semaphore(%arg16 : memref<!tpu.dma_semaphore, #tpu.memory_space<semaphore_mem>>)
      %lt3A_138 = arith.constant 15 : i32
      %lt3A_139 = arith.cmpi slt, %scan3A_60, %lt3A_138 : i32
      %convert_element_type3A_140 = arith.extui %lt3A_139 : i1 to i32
      %cond3A_141 = arith.constant 0 : i32
      %cond3A_142 = arith.cmpi ne, %convert_element_type3A_140, %cond3A_141 : i32
      scf.if %cond3A_142 {
        %add3A_143 = arith.constant 2 : i32
        %add3A_144 = arith.addi %add3A_103, %add3A_143 : i32
        %mul3A_145 = arith.constant 256 : i32
        %mul3A_146 = arith.muli %add3A_144, %mul3A_145 : i32
        %add3A_147 = arith.constant 0 : i32
        %add3A_148 = arith.addi %mul3A_146, %add3A_147 : i32
        %dma_start3A_149 = arith.constant 0 : i32
        %dma_start3A_150 = arith.constant 0 : i32
        %dma_start3A_151 = tpu.memref_slice %arg9[%dma_start3A_149, %dma_start3A_150] : memref<200x64xf32, #tpu.memory_space<vmem>> -> memref<104x64xf32, #tpu.memory_space<vmem>>
        %dma_start3A_152 = tpu.memref_slice %arg7[%add3A_148] : memref<8192xi32, #tpu.memory_space<vmem>> -> memref<104xi32, #tpu.memory_space<vmem>>
        %dma_start3A_153 = arith.constant 0 : i32
        %dma_start3A_154 = arith.constant 0 : i32
        %dma_start3A_155 = tpu.memref_slice %arg3[%dma_start3A_153, %dma_start3A_154] : memref<1000000x64xf32, #tpu.memory_space<hbm>> -> memref<1000000x64xf32, #tpu.memory_space<hbm>>
        tpu.enqueue_indirect_dma source(%dma_start3A_155 : memref<1000000x64xf32, #tpu.memory_space<hbm>>) target(%dma_start3A_151 : memref<104x64xf32, #tpu.memory_space<vmem>>) offsets(%dma_start3A_152 : memref<104xi32, #tpu.memory_space<vmem>>) semaphore(%arg14 : memref<!tpu.dma_semaphore, #tpu.memory_space<semaphore_mem>>)
        %mul3A_156 = arith.constant 256 : i32
        %mul3A_157 = arith.muli %add3A_144, %mul3A_156 : i32
        %add3A_158 = arith.constant 104 : i32
        %add3A_159 = arith.addi %mul3A_157, %add3A_158 : i32
        %dma_start3A_160 = arith.constant 104 : i32
        %dma_start3A_161 = arith.constant 0 : i32
        %dma_start3A_162 = tpu.memref_slice %arg9[%dma_start3A_160, %dma_start3A_161] : memref<200x64xf32, #tpu.memory_space<vmem>> -> memref<96x64xf32, #tpu.memory_space<vmem>>
        %dma_start3A_163 = tpu.memref_slice %arg7[%add3A_159] : memref<8192xi32, #tpu.memory_space<vmem>> -> memref<96xi32, #tpu.memory_space<vmem>>
        %dma_start3A_164 = arith.constant 0 : i32
        %dma_start3A_165 = arith.constant 0 : i32
        %dma_start3A_166 = tpu.memref_slice %arg3[%dma_start3A_164, %dma_start3A_165] : memref<1000000x64xf32, #tpu.memory_space<hbm>> -> memref<1000000x64xf32, #tpu.memory_space<hbm>>
        tpu.enqueue_indirect_dma source(%dma_start3A_166 : memref<1000000x64xf32, #tpu.memory_space<hbm>>) target(%dma_start3A_162 : memref<96x64xf32, #tpu.memory_space<vmem>>) offsets(%dma_start3A_163 : memref<96xi32, #tpu.memory_space<vmem>>) semaphore(%arg14 : memref<!tpu.dma_semaphore, #tpu.memory_space<semaphore_mem>>)
      } else {
      }
    }
    %scan3A_44 = arith.constant 16 : i32
    %add3A_45 = arith.constant 30 : i32
    %add3A_46 = arith.addi %mul3A_2, %add3A_45 : i32
    %dma_wait3A = arith.constant 0 : i32
    %dma_wait3A_47 = tpu.memref_slice %arg5[%add3A_46, %dma_wait3A] : memref<1024x12800xf32, #tpu.memory_space<hbm>> -> memref<1x12800xf32, #tpu.memory_space<hbm>>
    %dma_wait3A_48 = tpu.memref_squeeze %dma_wait3A_47 : memref<1x12800xf32, #tpu.memory_space<hbm>> -> memref<12800xf32, #tpu.memory_space<hbm>>
    %dma_wait3A_49 = arith.constant 0 : i32
    %dma_wait3A_50 = tpu.memref_slice %arg5[%add3A_46, %dma_wait3A_49] : memref<1024x12800xf32, #tpu.memory_space<hbm>> -> memref<1x12800xf32, #tpu.memory_space<hbm>>
    %dma_wait3A_51 = tpu.memref_squeeze %dma_wait3A_50 : memref<1x12800xf32, #tpu.memory_space<hbm>> -> memref<12800xf32, #tpu.memory_space<hbm>>
    tpu.wait_dma2 semaphore(%arg15 : memref<!tpu.dma_semaphore, #tpu.memory_space<semaphore_mem>>) src(%arg10 : memref<12800xf32, #tpu.memory_space<vmem>>) dst(%dma_wait3A_51 : memref<12800xf32, #tpu.memory_space<hbm>>)
    %add3A_52 = arith.constant 31 : i32
    %add3A_53 = arith.addi %mul3A_2, %add3A_52 : i32
    %dma_wait3A_54 = arith.constant 0 : i32
    %dma_wait3A_55 = tpu.memref_slice %arg5[%add3A_53, %dma_wait3A_54] : memref<1024x12800xf32, #tpu.memory_space<hbm>> -> memref<1x12800xf32, #tpu.memory_space<hbm>>
    %dma_wait3A_56 = tpu.memref_squeeze %dma_wait3A_55 : memref<1x12800xf32, #tpu.memory_space<hbm>> -> memref<12800xf32, #tpu.memory_space<hbm>>
    %dma_wait3A_57 = arith.constant 0 : i32
    %dma_wait3A_58 = tpu.memref_slice %arg5[%add3A_53, %dma_wait3A_57] : memref<1024x12800xf32, #tpu.memory_space<hbm>> -> memref<1x12800xf32, #tpu.memory_space<hbm>>
    %dma_wait3A_59 = tpu.memref_squeeze %dma_wait3A_58 : memref<1x12800xf32, #tpu.memory_space<hbm>> -> memref<12800xf32, #tpu.memory_space<hbm>>
    tpu.wait_dma2 semaphore(%arg16 : memref<!tpu.dma_semaphore, #tpu.memory_space<semaphore_mem>>) src(%arg11 : memref<12800xf32, #tpu.memory_space<vmem>>) dst(%dma_wait3A_59 : memref<12800xf32, #tpu.memory_space<hbm>>)
    return
  }
}

</mosaic_0001>

<sc_bundles>
// kernel: kernel.3.cloned.1.call-start
scs
__scs_entry_jumppad:
0x0: {  	(pc) =	sbr.rel $0x88, $3  }
0x1: {  	(tag) =	ssettag $0x0;
	lr =	simm.s32 $0x1  }
0x2: {  	[smem:$0x3F9F] =	sst lr;
	_ =	strace $0xD0000000  }
0x3: {  	_ = 	snop  }
0x4: {  	_ = 	snop  }
0x5: {  	_ = 	snop  }
0x6: {  	_ = 	snop  }
0x7: {  	_ = 	snop  }
__scs_overlays_trampoline_lowered:
0x8: {  	[smem:$0x3FAE] =	sst s0  }
0x9: {  	[smem:$0x3FAF] =	sst s1  }
0xa: {  	[smem:$0x3FB0] =	sst s2  }
0xb: {  	[smem:$0x3FB1] =	sst s3  }
0xc: {  	[smem:$0x3FB2] =	sst s4  }
0xd: {  	[smem:$0x3FB3] =	sst s5  }
0xe: {  	[smem:$0x3FB4] =	sst s6  }
0xf: {  	[smem:$0x3FB5] =	sst s7  }
0x10: {  	[smem:$0x3FB6] =	sst s8  }
0x11: {  	[smem:$0x3FB7] =	sst s9;
	s0 =	simm.s32 @!p0 $0x0  }
0x12: {  	s1 =	sld [smem:$0x3F9D];
	s0 =	simm.s32 @p0 $0x1  }
0x13: {  	[smem:$0x3FB8] =	sst s0;
	s0 =	simm.s32 @!p1 $0x0  }
0x14: {  	s2 =	sld [smem:$0x3F9C];
	s0 =	simm.s32 @p1 $0x1  }
0x15: {  	[smem:$0x3FB9] =	sst s0;
	s0 =	simm.s32 @!p2 $0x0  }
0x16: {  	s3 =	sld [smem:$0x3FDB];
	s0 =	simm.s32 @p2 $0x1  }
0x17: {  	s4 =	simm.s32 $0x1BF5;
	[smem:$0x3FBB] =	sst s0  }
0x18: {  	s0 =	sld [smem:$0x3F9E];
	_ =	swait.ge [sflag:s4], $0x0  }
0x19: {  	s7 =	sld [smem:$0x3F9F]  }
0x1a: {  	s8 =	sadd.s32 $0xFFFFE003, lr  }
0x1b: {  	s9 =	sadd.s32 $0xFFFFFEF7, lr;
	s5 =	simm.s32 $0xFFFFFFFF;
	p2 =	slt.u32 s8, $0xFFFFF086  }
0x1c: {  	p1 =	slt.u32 s9, $0xF7A;
	s5 =	simm.s32 @!p2 $0x0  }
0x1d: {  	s5 =	simm.s32 @p1 $0x1;
	p0 =	seq.s32 s7, s2  }
0x1e: {  	s7 =	smul.u32 @!p0 $0xF7A, s2;
	p2 =	seq.s32 @!p0 s5, $0x0  }
0x1f: {  	s9 =	smul.u32 $0xF7A, s1;
	s8 =	simm.s32 @!p0 $0x1BF5;
	p2 =	por !p2, p0  }
0x20: {  	[sflag:s8] =	ssyncset.s32 @!p0 $0xFFFFF086;
	s6 =	sadd.s32 @!p0 s3, s7;
	s7 =	simm.s32 @!p0 $0x108  }
0x21: {  	s3 =	sadd.s32 s3, s9;
	s6 =	sadd.s32 @!p0 $0x88, s6;
	s7 =	simm.s32 @p2 $0x1082  }
0x22: {  	[simem:s7], [sflag:s8] =	dma.local @!p0 [hbm:s6], $0xF7A  }
0x23: {  	s9 =	sor.u32 $0xD0000000, s2;
	s6 =	simm.s32 $0x108;
	_ =	swait.ge @!p0 [sflag:s8], $0x0  }
0x24: {  	s3 =	sadd.s32 $0x88, s3;
	s6 =	simm.s32 @!p1 $0x1082;
	[sflag:s4] =	ssyncset.s32 $0xFFFFF086  }
0x25: {  	[simem:s6], [sflag:s4] =	dma.local [hbm:s3], $0xF7A  }
0x26: {  	[smem:$0x3F9F] =	sst s1;
	(tag) =	ssettag s2;
	_ =	strace s9  }
0x27: {  	s1 =	sld [smem:$0x3FAF]  }
0x28: {  	s2 =	sld [smem:$0x3FB0]  }
0x29: {  	s4 =	sld [smem:$0x3FB2]  }
0x2a: {  	p0 =	seq.s32 s5, $0x0;
	s5 =	sld [smem:$0x3FB3]  }
0x2b: {  	s6 =	sld [smem:$0x3FB4]  }
0x2c: {  	s7 =	sld [smem:$0x3FB5]  }
0x2d: {  	s3 =	simm.s32 $0x108;
	s8 =	sld [smem:$0x3FB6]  }
0x2e: {  	s3 =	simm.s32 @!p0 $0x1082;
	s9 =	sld [smem:$0x3FB7]  }
0x2f: {  	lr =	sadd.s32 s0, s3;
	s0 =	sld [smem:$0x3FAE]  }
0x30: {  	s3 =	sld [smem:$0x3FB1]  }
0x31: {  	[smem:$0x3FBA] =	sst s10  }
0x32: {  	s10 =	sld [smem:$0x3FB8];
	_ =	sdelay $0x3  }
0x33: {  	p0 =	seq.s32 s10, $0x1;
	s10 =	sld [smem:$0x3FBA];
	_ =	sdelay $0x3  }
0x34: {  	[smem:$0x3FBA] =	sst s10  }
0x35: {  	s10 =	sld [smem:$0x3FB9];
	_ =	sdelay $0x3  }
0x36: {  	p1 =	seq.s32 s10, $0x1;
	s10 =	sld [smem:$0x3FBA];
	_ =	sdelay $0x3  }
0x37: {  	[smem:$0x3FBA] =	sst s10  }
0x38: {  	s10 =	sld [smem:$0x3FBB]  }
0x39: {  	_ = 	snop;
	(pc) =	sbr.ind lr, $3  }
0x3a: {  	_ = 	snop  }
0x3b: {  	_ = 	snop  }
0x3c: {  	p2 =	seq.s32 s10, $0x1;
	s10 =	sld [smem:$0x3FBA]  }
0x3d: {  	_ =	shalt  }
0x3e: {  	_ =	shalt  }
0x3f: {  	_ =	shalt  }
0x40: {  	_ =	shalt  }
0x41: {  	_ =	shalt  }
0x42: {  	_ =	shalt  }
0x43: {  	_ =	shalt  }
0x44: {  	_ =	shalt  }
0x45: {  	_ =	shalt  }
0x46: {  	_ =	shalt  }
0x47: {  	_ =	shalt  }
0x48: {  	_ =	shalt  }
0x49: {  	_ =	shalt  }
0x4a: {  	_ =	shalt  }
0x4b: {  	_ =	shalt  }
0x4c: {  	_ =	shalt  }
0x4d: {  	_ =	shalt  }
0x4e: {  	_ =	shalt  }
0x4f: {  	_ =	shalt  }
0x50: {  	_ =	shalt  }
0x51: {  	_ =	shalt  }
0x52: {  	_ =	shalt  }
0x53: {  	_ =	shalt  }
0x54: {  	_ =	shalt  }
0x55: {  	_ =	shalt  }
0x56: {  	_ =	shalt  }
0x57: {  	_ =	shalt  }
0x58: {  	_ =	shalt  }
0x59: {  	_ =	shalt  }
0x5a: {  	_ =	shalt  }
0x5b: {  	_ =	shalt  }
0x5c: {  	_ =	shalt  }
0x5d: {  	_ =	shalt  }
0x5e: {  	_ =	shalt  }
0x5f: {  	_ =	shalt  }
0x60: {  	_ =	shalt  }
0x61: {  	_ =	shalt  }
0x62: {  	_ =	shalt  }
0x63: {  	_ =	shalt  }
0x64: {  	_ =	shalt  }
0x65: {  	_ =	shalt  }
0x66: {  	_ =	shalt  }
0x67: {  	_ =	shalt  }
0x68: {  	_ =	shalt  }
0x69: {  	_ =	shalt  }
0x6a: {  	_ =	shalt  }
0x6b: {  	_ =	shalt  }
0x6c: {  	_ =	shalt  }
0x6d: {  	_ =	shalt  }
0x6e: {  	_ =	shalt  }
0x6f: {  	_ =	shalt  }
0x70: {  	_ =	shalt  }
0x71: {  	_ =	shalt  }
0x72: {  	_ =	shalt  }
0x73: {  	_ =	shalt  }
0x74: {  	_ =	shalt  }
0x75: {  	_ =	shalt  }
0x76: {  	_ =	shalt  }
0x77: {  	_ =	shalt  }
0x78: {  	_ =	shalt  }
0x79: {  	_ =	shalt  }
0x7a: {  	_ =	shalt  }
0x7b: {  	_ =	shalt  }
0x7c: {  	_ =	shalt  }
0x7d: {  	_ =	shalt  }
0x7e: {  	_ =	shalt  }
0x7f: {  	_ =	shalt  }
0x80: {  	_ =	shalt  }
0x81: {  	_ =	shalt  }
0x82: {  	_ =	shalt  }
0x83: {  	_ =	shalt  }
0x84: {  	_ =	shalt  }
0x85: {  	_ =	shalt  }
0x86: {  	_ =	shalt  }
0x87: {  	_ =	shalt  }
.Lfunc_end0:
.L_simem_size_0:
called_computation.1_lowered:
.L_overlay_start_0:
0x88: {  	s2 =	sld [smem:$0x3FD9]  }
0x89: {  	s3 =	sld [smem:$0x3FFE];
	_ =	sdelay $0x1  }
0x8a: {  	s1 =	srdreg.scid  }
0x8b: {  	s0 =	sand.u32 $0x1, s1  }
0x8c: {  	s17 =	sshll.u32 s0, $0xA;
	s2 =	sadd.s32 s3, s2  }
0x8d: {  	s2 =	sadd.s32 s2, s17  }
0x8e: {  	[smem:$0x3FC6] =	sst s2  }
0x8f: {  	_ = 	snop  }
0x90: {  	s2 =	sld [smem:$0x3FD0];
	(tm) =	ssettm $0x1  }
0x91: {  	s18 =	sld [smem:$0x3FFB];
	_ =	sdelay $0x3  }
0x92: {  	_ =	strace s18  }
0x93: {  	s3 =	sld [smem:$0x3FFC];
	_ =	sdelay $0x3  }
0x94: {  	_ =	strace s3  }
0x95: {  	s3 =	sld [smem:$0x3FFD];
	_ =	sdelay $0x3  }
0x96: {  	_ =	strace s3  }
0x97: {  	_ =	strace $0x8FFFFFFF  }
0x98: {  	s19 =	sld [smem:$0x3FDB];
	_ =	sdelay $0x1  }
0x99: {  	s4 =	simm.s32 $_scs_section_size  }
0x9a: {  	s5 =	simm.s32 $_size__tile_overlayer_lowered;
	s6 =	simm.s32 $_tile_overlayer_lowered  }
0x9b: {  	s22 =	simm.s32 $0x1BFF;
	s21 =	sshll.u32 s6, $0x1;
	s3 =	sadd.s32 s4, s19  }
0x9c: {  	s7 =	simm.s32 $0x0;
	s20 =	sshll.u32 s5, $0x1;
	s5 =	sadd.s32 s21, s3  }
0x9d: {  	[timem:s7], [sflag:s22] =	dma.local [hbm:s5], s20  }
0x9e: {  	_ =	swait.ge [sflag:s22], s20  }
0x9f: {  	s4 =	ssub.s32 $0x0, s20;
	[sflag:s22] =	ssyncset.done $0x0  }
0xa0: {  	[sflag:s22] =	ssyncadd.s32 s4;
	_ =	sdelay $0x1  }
0xa1: {  	s23 =	simm.s32 $0x1B8B  }
0xa2: {  	_ =	swait.ge [sflag:s23], $0x1  }
0xa3: {  	[sflag:s23] =	ssyncset.done $0x0  }
0xa4: {  	s25 =	simm.s32 $0x1B8E;
	s24 =	sld [smem:$0x3FFE];
	[sflag:s23] =	ssyncadd.s32 $0xFFFFFFFF  }
0xa5: {  	s26 =	simm.s32 $execute0_lowered;
	[smem:$0x3FD2] =	sst s25  }
0xa6: {  	s5 =	sshll.u32 s26, $0x1;
	_ =	strace $0x80000046;
	[dreg:$0x1] =	wrdreg $0xFFFFFFFF  }
0xa7: {  	s28 =	simm.s32 $_size_execute0_lowered;
	s3 =	sadd.s32 s3, s5;
	[dreg:$0x0] =	wrdreg $0x0  }
0xa8: {  	s5 =	sshll.u32 s28, $0x1;
	[dreg:$0x2] =	wrdreg s3  }
0xa9: {  	[dreg:$0x3] =	wrdreg s5  }
0xaa: {  	[dreg:$0x4] =	wrdreg $0xC0  }
0xab: {  	_ =	task [dreg:s7], $0x5FFFF  }
0xac: {  	[dreg:$0x1] =	wrdreg $0xFFFFFFFF  }
0xad: {  	[dreg:$0x0] =	wrdreg $0x60  }
0xae: {  	[dreg:$0x2] =	wrdreg s24  }
0xaf: {  	[dreg:$0x3] =	wrdreg s2  }
0xb0: {  	[dreg:$0x4] =	wrdreg $0x9  }
0xb1: {  	_ =	task.clear_ibuf [dreg:s7], $0x5FFFF;
	_ =	strace $0x90000046  }
0xb2: {  	s29 =	simm.s32 $0x9;
	_ =	strace $0x80000048  }
0xb3: {  	_ =	swait.ge [sflag:s29], $0x1  }
0xb4: {  	[sflag:s29] =	ssyncadd.s32 $0xFFFFFFFF  }
0xb5: {  	_ =	strace $0x90000048  }
0xb6: {  	_ =	sfence  }
0xb7: {  	s30 =	sld [smem:$0x0];
	_ =	sdelay $0x2  }
0xb8: {  	s31 =	sshll.u32 s1, $0xD;
	s1 =	sshrl.u32 s1, $0x2  }
0xb9: {  	s3 =	sand.u32 $0x4000, s31;
	s1 =	sadd.s32 s1, s30  }
0xba: {  	s0 =	sor.u32 s3, s0;
	s1 =	sshll.u32 s1, $0x11  }
0xbb: {  	s0 =	sor.u32 s1, s0  }
0xbc: {  	s0 =	sadd.s32 $0x8F2B, s0  }
0xbd: {  	[sflag:s0] =	ssyncadd.remote.s32 $0x1  }
0xbe: {  	_ =	sfence.sel $0xFFFF  }
0xbf: {  	[dreg:$0x0] =	wrdreg $0xFFFFFFFF;
	(pc) =	sbr.abs _section_cstart, $3  }
0xc0: {  	[dreg:$0x1] =	wrdreg $0xFFFFFFFF  }
0xc1: {  	_ =	task.clear_ibuf [dreg:s7], $0x2FFFF;
	_ =	strace $0x9FFFFFFF  }
0xc2: {  	(tm) =	ssettm $0x7FFFFFFF  }
0xc3: {  	_ =	shalt  }
tec
execute0_lowered:
.L_overlay_start_1:
0x0: {  	(tag) =	ssettag $0x1  }
0x1: {  	s0 =	srdreg.scid  }
0x2: {  	s1 =	rddreg [dreg:$0x0];
	s3 =	stileid.u32  }
0x3: {  	s2 =	rddreg [dreg:$0x1];
	s10 =	simm.s32 $0x5;
	s11 =	simm.s32 $0x68  }
0x4: {  	s12 =	simm.s32 $0x2000;
	s13 =	simm.s32 $0x4000;
	s14 =	simm.s32 $0x60  }
0x5: {  	s15 =	simm.s32 $0x2068;
	s16 =	simm.s32 $0x5A00;
	s17 =	simm.s32 $0x2100  }
0x6: {  	s18 =	simm.s32 $0x7200;
	s19 =	simm.s32 $0x2168;
	s20 =	simm.s32 $0x8C00  }
0x7: {  	s21 =	simm.s32 $0x1;
	s22 =	simm.s32 $0xA400;
	s23 =	simm.s32 $0x2  }
0x8: {  	s24 =	simm.s32 $0xD600;
	s25 =	simm.s32 $0x3;
	s26 =	simm.s32 $0x4  }
0x9: {  	s28 =	simm.s32 $0x0;
	s0 =	sand.u32 $0x1, s0;
	s4 =	sshll.u32 s3, $0x6  }
.Ltmp0:
0xa: {  	s3 =	simm.s32 $0x0;
	s5 =	sshll.u32 s0, $0x5;
	(pc) =	sbr.rel .LBB2_1-.Ltmp0, $4  }
0xb: {  	s6 =	sadd.s32 $0x8C00, s1;
	s0 =	ssub.s32 $0x2, s0;
	s4 =	sor.u32 s5, s4  }
0xc: {  	[smem:$0x7FF] =	sst s3;
	s8 =	sshrl.u32 s0, $0x1;
	s5 =	sshll.u32 s4, $0x5  }
0xd: {  	_ =	strace $0x80000047;
	s0 =	ssub.s32 s0, s8;
	s7 =	sadd.s32 s5, s1  }
0xe: {  	s5 =	sadd.s32 $0xF43000, s1;
	s8 =	smax.u32 s0, $0x1;
	s7 =	sadd.s32 $0xC00, s7  }
.LBB2_10:
0xf: {  	s28 =	sadd.s32 $0x1, s28  }
0x10: {  	_ =	swait.ge [sflag:s25], $0x3200;
	p0 =	sne.s32 s28, s8  }
.Ltmp1:
0x11: {  	[sflag:s25] =	ssyncset.done $0x0;
	(pc) =	sbr.rel @!p0 .LBB2_11-.Ltmp1, $4  }
0x12: {  	[sflag:s25] =	ssyncadd.s32 $0xFFFFCE00  }
0x13: {  	_ =	swait.ge [sflag:s26], $0x3200  }
0x14: {  	[sflag:s26] =	ssyncset.done $0x0  }
0x15: {  	[sflag:s26] =	ssyncadd.s32 $0xFFFFCE00  }
.LBB2_1:
0x16: {  	s0 =	simm.s32 $0x10800  }
0x17: {  	[tilespmem:s0], [sflag:$0x5] =	stream.linear.gather [hbm4b:s6+s3], $0x3200, $0x38;
	[tilespmem:$0x13A00] =	vst v63  }
0x18: {  	_ =	swait.ge [sflag:s10], $0x3200  }
0x19: {  	[sflag:s10] =	ssyncset.done $0x0  }
0x1a: {  	[sflag:s10] =	ssyncadd.s32 $0xFFFFCE00  }
0x1b: {  	[tilespmem:s3], [sflag:$0x5] =	stream.linear.gather [hbm4b:s7+s3], $0x2000, $0x38;
	[tilespmem:$0x13A00] =	vst v63  }
0x1c: {  	_ =	swait.ge [sflag:s10], $0x2000  }
0x1d: {  	[sflag:s10] =	ssyncset.done $0x0  }
0x1e: {  	s29 =	simm.s32 $0x0;
	[sflag:s10] =	ssyncadd.s32 $0xFFFFE000  }
0x1f: {  	v0 =	vld [tilespmem:s29+$0xF0]  }
0x20: {  	v1 =	vld [tilespmem:s29+$0x0]  }
0x21: {  	v2 =	vld [tilespmem:s29+$0x10]  }
0x22: {  	v3 =	vld [tilespmem:s29+$0x20]  }
0x23: {  	v4 =	vld [tilespmem:s29+$0x30]  }
0x24: {  	v5 =	vld [tilespmem:s29+$0x40];
	[tilespmem:s29+$0x20F0] =	vst v0  }
0x25: {  	[tilespmem:s29+$0x2000] =	vst v1;
	v0 =	vld [tilespmem:s29+$0x50]  }
0x26: {  	[tilespmem:s29+$0x2010] =	vst v2;
	v1 =	vld [tilespmem:s29+$0x60]  }
0x27: {  	[tilespmem:s29+$0x2020] =	vst v3;
	v2 =	vld [tilespmem:s29+$0x70]  }
0x28: {  	[tilespmem:s29+$0x2030] =	vst v4;
	v3 =	vld [tilespmem:s29+$0x80]  }
0x29: {  	[tilespmem:s29+$0x2040] =	vst v5;
	v4 =	vld [tilespmem:s29+$0x90]  }
0x2a: {  	[tilespmem:s29+$0x2050] =	vst v0;
	v0 =	vld [tilespmem:s29+$0xA0]  }
0x2b: {  	[tilespmem:s29+$0x2060] =	vst v1;
	v1 =	vld [tilespmem:s29+$0xB0]  }
0x2c: {  	[tilespmem:s29+$0x2070] =	vst v2;
	v2 =	vld [tilespmem:s29+$0xC0]  }
0x2d: {  	[tilespmem:s29+$0x2080] =	vst v3;
	v3 =	vld [tilespmem:s29+$0xD0]  }
0x2e: {  	s1 =	simm.s32 $0x800;
	s0 =	simm.s32 $0x100;
	[tilespmem:s29+$0x2090] =	vst v4;
	v4 =	vld [tilespmem:s29+$0xE0]  }
.LBB2_2:
0x2f: {  	p0 =	sne.s32 s1, $0x7C00;
	v5 =	vld [tilespmem:s0+$0xF0];
	[tilespmem:s29+$0x20A0] =	vst v0  }
0x30: {  	v0 =	vld [tilespmem:s0+$0x0];
	[tilespmem:s29+$0x20B0] =	vst v1  }
0x31: {  	v1 =	vld [tilespmem:s0+$0x10];
	[tilespmem:s29+$0x20C0] =	vst v2  }
0x32: {  	v2 =	vld [tilespmem:s0+$0x20];
	[tilespmem:s29+$0x20D0] =	vst v3  }
0x33: {  	v3 =	vld [tilespmem:s0+$0x30];
	[tilespmem:s29+$0x20E0] =	vst v4;
	s29 =	smov.u32 s0  }
0x34: {  	v4 =	vld [tilespmem:s29+$0x40];
	[tilespmem:s29+$0x20F0] =	vst v5  }
0x35: {  	[tilespmem:s29+$0x2000] =	vst v0;
	v0 =	vld [tilespmem:s29+$0x50]  }
0x36: {  	[tilespmem:s29+$0x2010] =	vst v1;
	v1 =	vld [tilespmem:s29+$0x60]  }
0x37: {  	[tilespmem:s29+$0x2020] =	vst v2;
	v2 =	vld [tilespmem:s29+$0x70]  }
0x38: {  	[tilespmem:s29+$0x2030] =	vst v3;
	v3 =	vld [tilespmem:s29+$0x80]  }
0x39: {  	[tilespmem:s29+$0x2040] =	vst v4;
	v4 =	vld [tilespmem:s29+$0x90]  }
.Ltmp2:
0x3a: {  	[tilespmem:s29+$0x2050] =	vst v0;
	v0 =	vld [tilespmem:s29+$0xA0];
	(pc) =	sbr.rel @p0 .LBB2_2-.Ltmp2, $4  }
0x3b: {  	[tilespmem:s29+$0x2060] =	vst v1;
	v1 =	vld [tilespmem:s29+$0xB0]  }
0x3c: {  	[tilespmem:s29+$0x2070] =	vst v2;
	v2 =	vld [tilespmem:s29+$0xC0]  }
0x3d: {  	[tilespmem:s29+$0x2080] =	vst v3;
	v3 =	vld [tilespmem:s29+$0xD0]  }
0x3e: {  	s0 =	sshra.s32 s1, $0x2;
	s1 =	sadd.s32 $0x400, s1;
	[tilespmem:s29+$0x2090] =	vst v4;
	v4 =	vld [tilespmem:s29+$0xE0]  }
0x3f: {  	v5 =	vld [tilespmem:s0+$0xF0];
	[tilespmem:s29+$0x20A0] =	vst v0  }
0x40: {  	v0 =	vld [tilespmem:s0+$0x0];
	[tilespmem:s29+$0x20B0] =	vst v1  }
0x41: {  	v1 =	vld [tilespmem:s0+$0x10];
	[tilespmem:s29+$0x20C0] =	vst v2  }
0x42: {  	v2 =	vld [tilespmem:s0+$0x20];
	[tilespmem:s29+$0x20D0] =	vst v3  }
0x43: {  	v3 =	vld [tilespmem:s0+$0x30];
	[tilespmem:s29+$0x20E0] =	vst v4  }
0x44: {  	v4 =	vld [tilespmem:s0+$0x40];
	[tilespmem:s0+$0x20F0] =	vst v5  }
0x45: {  	v54 =	vld [tilespmem:s0+$0x50];
	[tilespmem:s0+$0x2000] =	vst v0  }
0x46: {  	v55 =	vld [tilespmem:s0+$0x60];
	[tilespmem:s0+$0x2010] =	vst v1  }
0x47: {  	v56 =	vld [tilespmem:s0+$0x70];
	[tilespmem:s0+$0x2020] =	vst v2  }
0x48: {  	v57 =	vld [tilespmem:s0+$0x80];
	[tilespmem:s0+$0x2030] =	vst v3  }
0x49: {  	v58 =	vld [tilespmem:s0+$0x90];
	[tilespmem:s0+$0x2040] =	vst v4  }
0x4a: {  	v59 =	vld [tilespmem:s0+$0xA0];
	[tilespmem:s0+$0x2050] =	vst v54  }
0x4b: {  	v60 =	vld [tilespmem:s0+$0xB0];
	[tilespmem:s0+$0x2060] =	vst v55  }
0x4c: {  	v61 =	vld [tilespmem:s0+$0xC0];
	[tilespmem:s0+$0x2070] =	vst v56  }
0x4d: {  	v62 =	vld [tilespmem:s0+$0xD0];
	[tilespmem:s0+$0x2080] =	vst v57  }
0x4e: {  	v63 =	vld [tilespmem:s0+$0xE0];
	[tilespmem:s0+$0x2090] =	vst v58  }
0x4f: {  	[tilespmem:s0+$0x20A0] =	vst v59  }
0x50: {  	[tilespmem:s0+$0x20B0] =	vst v60  }
0x51: {  	[tilespmem:s0+$0x20C0] =	vst v61  }
0x52: {  	[tilespmem:s0+$0x20D0] =	vst v62  }
0x53: {  	[tilespmem:s0+$0x20E0] =	vst v63  }
0x54: {  	[tilespmem:s13], [sflag:$0x1] =	stream.indirect.gather [hbm4b:s5+s11], $0x40, s12, s11, $0xb8;
	[tilespmem:$0x13A00] =	vst v63  }
0x55: {  	_ = 	snop  }
0x56: {  	[tilespmem:s16], [sflag:$0x1] =	stream.indirect.gather [hbm4b:s5+s14], $0x40, s15, s14, $0xb8;
	[tilespmem:$0x13A00] =	vst v63  }
0x57: {  	_ = 	snop  }
0x58: {  	[tilespmem:s18], [sflag:$0x2] =	stream.indirect.gather [hbm4b:s5+s11], $0x40, s17, s11, $0xb8;
	[tilespmem:$0x13A00] =	vst v63  }
0x59: {  	s29 =	simm.s32 $0x0  }
0x5a: {  	[tilespmem:s20], [sflag:$0x2] =	stream.indirect.gather [hbm4b:s5+s14], $0x40, s19, s14, $0xb8;
	[tilespmem:$0x13A00] =	vst v63  }
.LBB2_4:
0x5b: {  	_ =	swait.ge [sflag:s21], $0x1A00  }
0x5c: {  	[sflag:s21] =	ssyncset.done $0x0  }
0x5d: {  	[sflag:s21] =	ssyncadd.s32 $0xFFFFE600  }
0x5e: {  	_ =	swait.ge [sflag:s21], $0x1800  }
0x5f: {  	p0 =	seq.s32 s29, $0x0;
	[sflag:s21] =	ssyncset.done $0x0  }
0x60: {  	s0 =	simm.s32 @!p0 $0x3;
	[sflag:s21] =	ssyncadd.s32 $0xFFFFE800  }
0x61: {  	_ =	swait.ge @!p0 [sflag:s0], $0x3200  }
0x62: {  	[sflag:s0] =	ssyncset.done @!p0 $0x0  }
0x63: {  	s31 =	simm.s32 $0x0;
	[sflag:s0] =	ssyncadd.s32 @!p0 $0xFFFFCE00  }
0x64: {  	v0 =	vld [tilespmem:s31+$0x4070]  }
0x65: {  	v1 =	vld [tilespmem:s31+$0x4000]  }
0x66: {  	v2 =	vld [tilespmem:s31+$0x10870]  }
0x67: {  	v3 =	vld [tilespmem:s31+$0x4010]  }
0x68: {  	v4 =	vld [tilespmem:s31+$0x4020]  }
0x69: {  	v6 =	vld [tilespmem:s31+$0x4030]  }
0x6a: {  	v9 =	vld [tilespmem:s31+$0x4040]  }
0x6b: {  	v10 =	vld [tilespmem:s31+$0x4050]  }
0x6c: {  	v11 =	vld [tilespmem:s31+$0x4060]  }
0x6d: {  	v12 =	vld [tilespmem:s31+$0x10800]  }
0x6e: {  	v13 =	vld [tilespmem:s31+$0x10810]  }
0x6f: {  	v8 =	vld [tilespmem:s31+$0x10820];
	v0 =	vmul.f32 $8.000000000e+00, v0  }
0x70: {  	v7 =	vld [tilespmem:s31+$0x10830];
	v14 =	vmul.f32 $8.000000000e+00, v1  }
0x71: {  	v15 =	vmul.f32 $8.000000000e+00, v3;
	v3 =	vmul.f32 $8.000000000e+00, v6;
	v6 =	vld [tilespmem:s31+$0x10840];
	v0 =	vadd.f32 v2, v0  }
0x72: {  	v5 =	vmul.f32 $8.000000000e+00, v4;
	v1 =	vmul.f32 $8.000000000e+00, v10;
	v4 =	vld [tilespmem:s31+$0x10850];
	v10 =	vadd.f32 v12, v14  }
0x73: {  	s30 =	sshll.u32 s29, $0x1;
	s1 =	simm.s32 $0x80;
	s0 =	simm.s32 $0x400;
	v2 =	vmul.f32 $8.000000000e+00, v9;
	v9 =	vld [tilespmem:s31+$0x10860];
	[tilespmem:s31+$0xA470] =	vst v0;
	v0 =	vmul.f32 $8.000000000e+00, v11;
	v11 =	vadd.f32 v13, v15  }
.LBB2_5:
0x74: {  	p1 =	sne.s32 s0, $0xC600;
	v12 =	vld [tilespmem:s1+$0x4070];
	v5 =	vadd.f32 v8, v5;
	[tilespmem:s31+$0xA400] =	vst v10  }
0x75: {  	v8 =	vld [tilespmem:s1+$0x4000];
	v3 =	vadd.f32 v7, v3;
	[tilespmem:s31+$0xA410] =	vst v11  }
0x76: {  	v7 =	vld [tilespmem:s1+$0x10870];
	v2 =	vadd.f32 v6, v2;
	[tilespmem:s31+$0xA420] =	vst v5  }
0x77: {  	v5 =	vld [tilespmem:s1+$0x4010];
	v1 =	vadd.f32 v4, v1;
	[tilespmem:s31+$0xA430] =	vst v3  }
0x78: {  	v3 =	vld [tilespmem:s1+$0x4020];
	v0 =	vadd.f32 v9, v0;
	[tilespmem:s31+$0xA440] =	vst v2  }
0x79: {  	v2 =	vld [tilespmem:s1+$0x4030];
	v4 =	vmul.f32 $8.000000000e+00, v12;
	[tilespmem:s31+$0xA450] =	vst v1  }
0x7a: {  	v1 =	vld [tilespmem:s1+$0x4040];
	v9 =	vmul.f32 $8.000000000e+00, v8;
	[tilespmem:s31+$0xA460] =	vst v0;
	s31 =	smov.u32 s1  }
0x7b: {  	v0 =	vld [tilespmem:s31+$0x4050];
	v4 =	vadd.f32 v7, v4  }
0x7c: {  	v10 =	vld [tilespmem:s31+$0x4060];
	v11 =	vmul.f32 $8.000000000e+00, v5  }
0x7d: {  	v12 =	vld [tilespmem:s31+$0x10800];
	v5 =	vmul.f32 $8.000000000e+00, v3;
	[tilespmem:s31+$0xA470] =	vst v4  }
0x7e: {  	v13 =	vld [tilespmem:s31+$0x10810];
	v3 =	vmul.f32 $8.000000000e+00, v2  }
.Ltmp3:
0x7f: {  	v8 =	vld [tilespmem:s31+$0x10820];
	v2 =	vmul.f32 $8.000000000e+00, v1;
	(pc) =	sbr.rel @p1 .LBB2_5-.Ltmp3, $4  }
0x80: {  	v7 =	vld [tilespmem:s31+$0x10830];
	v1 =	vmul.f32 $8.000000000e+00, v0  }
0x81: {  	v6 =	vld [tilespmem:s31+$0x10840];
	v0 =	vmul.f32 $8.000000000e+00, v10  }
0x82: {  	v4 =	vld [tilespmem:s31+$0x10850];
	v10 =	vadd.f32 v12, v9  }
0x83: {  	s1 =	sshra.s32 s0, $0x2;
	s0 =	sadd.s32 $0x200, s0;
	v9 =	vld [tilespmem:s31+$0x10860];
	v11 =	vadd.f32 v13, v11  }
0x84: {  	v12 =	vld [tilespmem:s1+$0x4070];
	[tilespmem:s31+$0xA400] =	vst v10;
	v5 =	vadd.f32 v8, v5  }
0x85: {  	v10 =	vld [tilespmem:s1+$0x4000];
	[tilespmem:s31+$0xA410] =	vst v11;
	v3 =	vadd.f32 v7, v3  }
0x86: {  	v8 =	vld [tilespmem:s1+$0x10870];
	[tilespmem:s31+$0xA420] =	vst v5;
	v2 =	vadd.f32 v6, v2  }
0x87: {  	v5 =	vld [tilespmem:s1+$0x4010];
	[tilespmem:s31+$0xA430] =	vst v3;
	v1 =	vadd.f32 v4, v1  }
0x88: {  	v3 =	vld [tilespmem:s1+$0x4020];
	[tilespmem:s31+$0xA440] =	vst v2;
	v0 =	vadd.f32 v9, v0  }
0x89: {  	v2 =	vld [tilespmem:s1+$0x4030];
	[tilespmem:s31+$0xA450] =	vst v1  }
0x8a: {  	v1 =	vld [tilespmem:s1+$0x4040];
	[tilespmem:s31+$0xA460] =	vst v0  }
0x8b: {  	v4 =	vmul.f32 $8.000000000e+00, v12;
	v0 =	vld [tilespmem:s1+$0x4050]  }
0x8c: {  	v6 =	vld [tilespmem:s1+$0x4060]  }
0x8d: {  	v4 =	vadd.f32 v8, v4;
	v7 =	vld [tilespmem:s1+$0x10800]  }
0x8e: {  	v8 =	vld [tilespmem:s1+$0x10820]  }
0x8f: {  	[tilespmem:s1+$0xA470] =	vst v4;
	v4 =	vld [tilespmem:s1+$0x10810]  }
0x90: {  	v9 =	vmul.f32 $8.000000000e+00, v10;
	v10 =	vld [tilespmem:s1+$0x10830]  }
0x91: {  	v11 =	vld [tilespmem:s1+$0x10840];
	v3 =	vmul.f32 $8.000000000e+00, v3  }
0x92: {  	v62 =	vld [tilespmem:s1+$0x10850];
	v5 =	vmul.f32 $8.000000000e+00, v5;
	v7 =	vadd.f32 v7, v9  }
0x93: {  	v2 =	vmul.f32 $8.000000000e+00, v2;
	v9 =	vld [tilespmem:s1+$0x10860];
	v3 =	vadd.f32 v8, v3  }
0x94: {  	v1 =	vmul.f32 $8.000000000e+00, v1;
	v4 =	vadd.f32 v4, v5;
	[tilespmem:s1+$0xA400] =	vst v7  }
0x95: {  	v0 =	vmul.f32 $8.000000000e+00, v0;
	v2 =	vadd.f32 v10, v2;
	[tilespmem:s1+$0xA420] =	vst v3  }
0x96: {  	v1 =	vadd.f32 v11, v1;
	[tilespmem:s1+$0xA410] =	vst v4;
	v4 =	vmul.f32 $8.000000000e+00, v6  }
0x97: {  	s0 =	sadd.s32 s4, s30;
	v0 =	vadd.f32 v62, v0;
	[tilespmem:s1+$0xA430] =	vst v2  }
0x98: {  	s0 =	smul.u32 $0x640, s0;
	[tilespmem:s1+$0xA440] =	vst v1;
	v2 =	vadd.f32 v9, v4  }
0x99: {  	[tilespmem:s1+$0xA450] =	vst v0  }
0x9a: {  	p1 =	seq.s32 s29, $0xF;
	s0 =	sadd.s32 s2, s0;
	[tilespmem:s1+$0xA460] =	vst v2  }
0x9b: {  	[hbm4b:s0+s3] =	stream.linear.scatter [tilespmem:s22], [sflag:$0x3], $0x3200, $0x38;
	[tilespmem:$0x13A00] =	vst v63  }
0x9c: {  	s0 =	sshll.u32 @!p1 s29, $0x9  }
0x9d: {  	s0 =	sand.u32 @!p1 $0x3FFFFE00, s0  }
0x9e: {  	s9 =	simm.s32 @!p1 $0x4000;
	s31 =	simm.s32 @!p1 $0x68;
	s1 =	sadd.s32 @!p1 $0x2200, s0  }
0x9f: {  	[tilespmem:s9], [sflag:$0x1] =	stream.indirect.gather @!p1 [hbm4b:s5+s31], $0x40, s1, s31, $0xb8;
	[tilespmem:$0x13A00] =	vst v63  }
0xa0: {  	s0 =	sadd.s32 @!p1 $0x2268, s0;
	s1 =	simm.s32 @!p1 $0x60;
	s9 =	simm.s32 @!p1 $0x5A00  }
0xa1: {  	[tilespmem:s9], [sflag:$0x1] =	stream.indirect.gather @!p1 [hbm4b:s5+s1], $0x40, s0, s1, $0xb8;
	[tilespmem:$0x13A00] =	vst v63  }
0xa2: {  	_ =	swait.ge [sflag:s23], $0x1A00  }
0xa3: {  	[sflag:s23] =	ssyncset.done $0x0  }
0xa4: {  	[sflag:s23] =	ssyncadd.s32 $0xFFFFE600  }
0xa5: {  	_ =	swait.ge [sflag:s23], $0x1800  }
0xa6: {  	[sflag:s23] =	ssyncset.done $0x0  }
0xa7: {  	s0 =	simm.s32 @!p0 $0x4;
	[sflag:s23] =	ssyncadd.s32 $0xFFFFE800  }
0xa8: {  	_ =	swait.ge @!p0 [sflag:s0], $0x3200  }
0xa9: {  	[sflag:s0] =	ssyncset.done @!p0 $0x0  }
0xaa: {  	s31 =	simm.s32 $0x0;
	[sflag:s0] =	ssyncadd.s32 @!p0 $0xFFFFCE00  }
0xab: {  	v0 =	vld [tilespmem:s31+$0x7270]  }
0xac: {  	v1 =	vld [tilespmem:s31+$0x7200]  }
0xad: {  	v2 =	vld [tilespmem:s31+$0x10870]  }
0xae: {  	v3 =	vld [tilespmem:s31+$0x7210]  }
0xaf: {  	v4 =	vld [tilespmem:s31+$0x7220]  }
0xb0: {  	v6 =	vld [tilespmem:s31+$0x7230]  }
0xb1: {  	v9 =	vld [tilespmem:s31+$0x7240]  }
0xb2: {  	v10 =	vld [tilespmem:s31+$0x7250]  }
0xb3: {  	v11 =	vld [tilespmem:s31+$0x7260]  }
0xb4: {  	v63 =	vld [tilespmem:s31+$0x10800]  }
0xb5: {  	v13 =	vld [tilespmem:s31+$0x10810]  }
0xb6: {  	v8 =	vld [tilespmem:s31+$0x10820];
	v0 =	vmul.f32 $8.000000000e+00, v0  }
0xb7: {  	v7 =	vld [tilespmem:s31+$0x10830];
	v14 =	vmul.f32 $8.000000000e+00, v1  }
0xb8: {  	v15 =	vmul.f32 $8.000000000e+00, v3;
	v3 =	vmul.f32 $8.000000000e+00, v6;
	v6 =	vld [tilespmem:s31+$0x10840];
	v0 =	vadd.f32 v2, v0  }
0xb9: {  	v5 =	vmul.f32 $8.000000000e+00, v4;
	v1 =	vmul.f32 $8.000000000e+00, v10;
	v4 =	vld [tilespmem:s31+$0x10850];
	v10 =	vadd.f32 v63, v14  }
0xba: {  	s30 =	sor.u32 $0x1, s30;
	s1 =	simm.s32 $0x80;
	s0 =	simm.s32 $0x400;
	v2 =	vmul.f32 $8.000000000e+00, v9;
	v9 =	vld [tilespmem:s31+$0x10860];
	[tilespmem:s31+$0xD670] =	vst v0;
	v0 =	vmul.f32 $8.000000000e+00, v11;
	v11 =	vadd.f32 v13, v15  }
.LBB2_7:
0xbb: {  	p0 =	sne.s32 s0, $0xC600;
	v12 =	vld [tilespmem:s1+$0x7270];
	v5 =	vadd.f32 v8, v5;
	[tilespmem:s31+$0xD600] =	vst v10  }
0xbc: {  	v8 =	vld [tilespmem:s1+$0x7200];
	v3 =	vadd.f32 v7, v3;
	[tilespmem:s31+$0xD610] =	vst v11  }
0xbd: {  	v7 =	vld [tilespmem:s1+$0x10870];
	v2 =	vadd.f32 v6, v2;
	[tilespmem:s31+$0xD620] =	vst v5  }
0xbe: {  	v5 =	vld [tilespmem:s1+$0x7210];
	v1 =	vadd.f32 v4, v1;
	[tilespmem:s31+$0xD630] =	vst v3  }
0xbf: {  	v3 =	vld [tilespmem:s1+$0x7220];
	v0 =	vadd.f32 v9, v0;
	[tilespmem:s31+$0xD640] =	vst v2  }
0xc0: {  	v2 =	vld [tilespmem:s1+$0x7230];
	v4 =	vmul.f32 $8.000000000e+00, v12;
	[tilespmem:s31+$0xD650] =	vst v1  }
0xc1: {  	v1 =	vld [tilespmem:s1+$0x7240];
	v9 =	vmul.f32 $8.000000000e+00, v8;
	[tilespmem:s31+$0xD660] =	vst v0;
	s31 =	smov.u32 s1  }
0xc2: {  	v0 =	vld [tilespmem:s31+$0x7250];
	v4 =	vadd.f32 v7, v4  }
0xc3: {  	v10 =	vld [tilespmem:s31+$0x7260];
	v11 =	vmul.f32 $8.000000000e+00, v5  }
0xc4: {  	v12 =	vld [tilespmem:s31+$0x10800];
	v5 =	vmul.f32 $8.000000000e+00, v3;
	[tilespmem:s31+$0xD670] =	vst v4  }
0xc5: {  	v13 =	vld [tilespmem:s31+$0x10810];
	v3 =	vmul.f32 $8.000000000e+00, v2  }
.Ltmp4:
0xc6: {  	v8 =	vld [tilespmem:s31+$0x10820];
	v2 =	vmul.f32 $8.000000000e+00, v1;
	(pc) =	sbr.rel @p0 .LBB2_7-.Ltmp4, $4  }
0xc7: {  	v7 =	vld [tilespmem:s31+$0x10830];
	v1 =	vmul.f32 $8.000000000e+00, v0  }
0xc8: {  	v6 =	vld [tilespmem:s31+$0x10840];
	v0 =	vmul.f32 $8.000000000e+00, v10  }
0xc9: {  	v4 =	vld [tilespmem:s31+$0x10850];
	v10 =	vadd.f32 v12, v9  }
0xca: {  	s1 =	sshra.s32 s0, $0x2;
	s0 =	sadd.s32 $0x200, s0;
	v9 =	vld [tilespmem:s31+$0x10860];
	v11 =	vadd.f32 v13, v11  }
0xcb: {  	v12 =	vld [tilespmem:s1+$0x7270];
	[tilespmem:s31+$0xD600] =	vst v10;
	v5 =	vadd.f32 v8, v5  }
0xcc: {  	v10 =	vld [tilespmem:s1+$0x7200];
	[tilespmem:s31+$0xD610] =	vst v11;
	v3 =	vadd.f32 v7, v3  }
0xcd: {  	v52 =	vld [tilespmem:s1+$0x10870];
	[tilespmem:s31+$0xD620] =	vst v5;
	v2 =	vadd.f32 v6, v2  }
0xce: {  	v5 =	vld [tilespmem:s1+$0x7210];
	[tilespmem:s31+$0xD630] =	vst v3;
	v1 =	vadd.f32 v4, v1  }
0xcf: {  	v3 =	vld [tilespmem:s1+$0x7220];
	[tilespmem:s31+$0xD640] =	vst v2;
	v0 =	vadd.f32 v9, v0  }
0xd0: {  	v2 =	vld [tilespmem:s1+$0x7230];
	[tilespmem:s31+$0xD650] =	vst v1  }
0xd1: {  	v1 =	vld [tilespmem:s1+$0x7240];
	[tilespmem:s31+$0xD660] =	vst v0  }
0xd2: {  	v0 =	vld [tilespmem:s1+$0x7250]  }
0xd3: {  	v54 =	vld [tilespmem:s1+$0x7260]  }
0xd4: {  	v55 =	vld [tilespmem:s1+$0x10800]  }
0xd5: {  	v56 =	vld [tilespmem:s1+$0x10810]  }
0xd6: {  	v53 =	vmul.f32 $8.000000000e+00, v12;
	v57 =	vld [tilespmem:s1+$0x10820]  }
0xd7: {  	v58 =	vmul.f32 $8.000000000e+00, v10;
	v59 =	vld [tilespmem:s1+$0x10830]  }
0xd8: {  	v4 =	vadd.f32 v52, v53;
	v11 =	vld [tilespmem:s1+$0x10840];
	v5 =	vmul.f32 $8.000000000e+00, v5  }
0xd9: {  	v60 =	vld [tilespmem:s1+$0x10850];
	v3 =	vmul.f32 $8.000000000e+00, v3;
	v7 =	vadd.f32 v55, v58  }
0xda: {  	v61 =	vld [tilespmem:s1+$0x10860];
	[tilespmem:s1+$0xD670] =	vst v4;
	v2 =	vmul.f32 $8.000000000e+00, v2;
	v4 =	vadd.f32 v56, v5  }
0xdb: {  	v1 =	vmul.f32 $8.000000000e+00, v1;
	v3 =	vadd.f32 v57, v3;
	[tilespmem:s1+$0xD600] =	vst v7  }
0xdc: {  	v0 =	vmul.f32 $8.000000000e+00, v0;
	v2 =	vadd.f32 v59, v2;
	[tilespmem:s1+$0xD610] =	vst v4  }
0xdd: {  	v62 =	vmul.f32 $8.000000000e+00, v54;
	v1 =	vadd.f32 v11, v1;
	[tilespmem:s1+$0xD620] =	vst v3  }
.Ltmp5:
0xde: {  	s0 =	sadd.s32 s4, s30;
	v0 =	vadd.f32 v60, v0;
	[tilespmem:s1+$0xD630] =	vst v2;
	(pc) =	sbr.rel @p1 .LBB2_10-.Ltmp5, $4  }
0xdf: {  	s0 =	smul.u32 $0x640, s0;
	v63 =	vadd.f32 v61, v62;
	[tilespmem:s1+$0xD640] =	vst v1  }
0xe0: {  	[tilespmem:s1+$0xD650] =	vst v0  }
0xe1: {  	s0 =	sadd.s32 s2, s0;
	[tilespmem:s1+$0xD660] =	vst v63  }
0xe2: {  	[hbm4b:s0+s3] =	stream.linear.scatter [tilespmem:s24], [sflag:$0x4], $0x3200, $0x38;
	[tilespmem:$0x13A00] =	vst v63  }
0xe3: {  	s0 =	sshll.u32 s29, $0x9  }
.Ltmp6:
0xe4: {  	s0 =	sand.u32 $0x3FFFFE00, s0;
	(pc) =	sbr.rel .LBB2_4-.Ltmp6, $4  }
0xe5: {  	s1 =	sadd.s32 $0x2300, s0  }
0xe6: {  	[tilespmem:s18], [sflag:$0x2] =	stream.indirect.gather [hbm4b:s5+s11], $0x40, s1, s11, $0xb8;
	[tilespmem:$0x13A00] =	vst v63  }
0xe7: {  	s29 =	sadd.s32 $0x1, s29;
	s0 =	sadd.s32 $0x2368, s0  }
0xe8: {  	[tilespmem:s20], [sflag:$0x2] =	stream.indirect.gather [hbm4b:s5+s14], $0x40, s0, s14, $0xb8;
	[tilespmem:$0x13A00] =	vst v63  }
.LBB2_11:
0xe9: {  	_ =	sfence.sel $0x180000  }
0xea: {  	[bflag:$0x0] =	sbarrier.arrive $0xFFFF  }
0xeb: {  	_ =	strace $0x90000047  }
0xec: {  	s0 =	stileid.u32;
	[bflag:$0x2] =	sbarrier.arrive $0xFFFF  }
0xed: {  	p0 =	sne.s32 s0, $0x0;
	s0 =	rddreg [dreg:$0x2]  }
0xee: {  	s0 =	sadd.s32 @!p0 $0x100000, s0  }
0xef: {  	[sflag:s0] =	ssyncadd.tile.s32 @!p0 $0x1;
	_ =	shalt  }
.Lfunc_end2:
_tile_overlayer_lowered:
.L_overlay_start_2:
0xf0: {  	(tag) =	ssettag $0x2  }
0xf1: {  	s0 =	rddreg [dreg:$0x0];
	s2 =	stileid.u32  }
0xf2: {  	s1 =	rddreg [dreg:$0x1];
	p0 =	sne.s32 s2, $0x0  }
0xf3: {  	s3 =	rddreg [dreg:$0x2];
	[bflag:$0x3] =	sbarrier.arrive $0xFFFF;
	s2 =	simm.s32 @!p0 $0x1C05  }
0xf4: {  	[timem:s3], [sflag:s2] =	dma.local @!p0 [hbm:s0], s1  }
0xf5: {  	s0 =	simm.s32 @!p0 $0x5  }
0xf6: {  	_ =	swait.ge @!p0 [sflag:s0], s1  }
0xf7: {  	s1 =	ssub.s32 @!p0 $0x0, s1;
	[sflag:s0] =	ssyncset.done @!p0 $0x0  }
0xf8: {  	[sflag:s0] =	ssyncadd.s32 @!p0 s1  }
0xf9: {  	[bflag:$0x3] =	sbarrier.arrive $0xFFFF  }
0xfa: {  	_ =	shalt  }

// kernel: sparse-core-data-format-call.cloned.1.call-start
scs
called_computation_lowered:
.L_overlay_start_0:
0x0: {  	s2 =	sld [smem:$0x3FD9]  }
0x1: {  	s3 =	sld [smem:$0x3FFE];
	_ =	sdelay $0x1  }
0x2: {  	s1 =	srdreg.scid  }
0x3: {  	s0 =	sand.u32 $0x1, s1  }
0x4: {  	s18 =	sshll.u32 s0, $0xA;
	s2 =	sadd.s32 s3, s2  }
0x5: {  	s2 =	sadd.s32 s2, s18  }
0x6: {  	[smem:$0x3FC6] =	sst s2  }
0x7: {  	_ = 	snop  }
0x8: {  	s2 =	sld [smem:$0x3FD0];
	(tm) =	ssettm $0x1  }
0x9: {  	s19 =	sld [smem:$0x3FFB];
	_ =	sdelay $0x3  }
0xa: {  	_ =	strace s19  }
0xb: {  	s3 =	sld [smem:$0x3FFC];
	_ =	sdelay $0x3  }
0xc: {  	_ =	strace s3  }
0xd: {  	s3 =	sld [smem:$0x3FFD];
	_ =	sdelay $0x3  }
0xe: {  	_ =	strace s3  }
0xf: {  	_ =	strace $0x8FFFFFFF  }
0x10: {  	s20 =	sld [smem:$0x3FDB];
	_ =	sdelay $0x1  }
0x11: {  	s4 =	simm.s32 $_scs_section_size  }
0x12: {  	s5 =	simm.s32 $_size__tile_overlayer_lowered;
	s6 =	simm.s32 $_tile_overlayer_lowered  }
0x13: {  	s23 =	simm.s32 $0x1BFF;
	s22 =	sshll.u32 s6, $0x1;
	s3 =	sadd.s32 s4, s20  }
0x14: {  	s7 =	simm.s32 $0x0;
	s21 =	sshll.u32 s5, $0x1;
	s5 =	sadd.s32 s22, s3  }
0x15: {  	[timem:s7], [sflag:s23] =	dma.local [hbm:s5], s21  }
0x16: {  	_ =	swait.ge [sflag:s23], s21  }
0x17: {  	s4 =	ssub.s32 $0x0, s21;
	[sflag:s23] =	ssyncset.done $0x0  }
0x18: {  	[sflag:s23] =	ssyncadd.s32 s4;
	_ =	sdelay $0x1  }
0x19: {  	s24 =	simm.s32 $0x1B8B  }
0x1a: {  	_ =	swait.ge [sflag:s24], $0x1  }
0x1b: {  	[sflag:s24] =	ssyncset.done $0x0  }
0x1c: {  	s26 =	simm.s32 $0x1B8E;
	s25 =	sld [smem:$0x3FFE];
	[sflag:s24] =	ssyncadd.s32 $0xFFFFFFFF  }
0x1d: {  	s27 =	simm.s32 $execute0_lowered;
	[smem:$0x3FD2] =	sst s26  }
0x1e: {  	s5 =	sshll.u32 s27, $0x1;
	_ =	strace $0x80000049;
	[dreg:$0x1] =	wrdreg $0xFFFFFFFF  }
0x1f: {  	s28 =	simm.s32 $_size_execute0_lowered;
	s3 =	sadd.s32 s3, s5;
	[dreg:$0x0] =	wrdreg $0x0  }
0x20: {  	s5 =	sshll.u32 s28, $0x1;
	[dreg:$0x2] =	wrdreg s3  }
0x21: {  	[dreg:$0x3] =	wrdreg s5  }
0x22: {  	[dreg:$0x4] =	wrdreg $0xC0  }
0x23: {  	_ =	task [dreg:s7], $0x5FFFF  }
0x24: {  	[dreg:$0x1] =	wrdreg $0xFFFFFFFF  }
0x25: {  	[dreg:$0x0] =	wrdreg $0x60  }
0x26: {  	[dreg:$0x2] =	wrdreg s25  }
0x27: {  	[dreg:$0x3] =	wrdreg s2  }
0x28: {  	[dreg:$0x4] =	wrdreg $0x9  }
0x29: {  	_ =	task.clear_ibuf [dreg:s7], $0x5FFFF;
	_ =	strace $0x90000049  }
0x2a: {  	s29 =	simm.s32 $0x9;
	_ =	strace $0x8000004B  }
0x2b: {  	_ =	swait.ge [sflag:s29], $0x1  }
0x2c: {  	[sflag:s29] =	ssyncadd.s32 $0xFFFFFFFF  }
0x2d: {  	_ =	strace $0x9000004B  }
0x2e: {  	_ =	sfence  }
0x2f: {  	s30 =	sld [smem:$0x0];
	_ =	sdelay $0x2  }
0x30: {  	s31 =	sshll.u32 s1, $0xD;
	s1 =	sshrl.u32 s1, $0x2  }
0x31: {  	s3 =	sand.u32 $0x4000, s31;
	s1 =	sadd.s32 s1, s30  }
0x32: {  	s0 =	sor.u32 s3, s0;
	s1 =	sshll.u32 s1, $0x11  }
0x33: {  	s0 =	sor.u32 s1, s0  }
0x34: {  	s0 =	sadd.s32 $0x8F2B, s0  }
0x35: {  	[sflag:s0] =	ssyncadd.remote.s32 $0x1  }
0x36: {  	_ =	sfence.sel $0xFFFF  }
0x37: {  	[dreg:$0x0] =	wrdreg $0xFFFFFFFF;
	(pc) =	sbr.abs _section_cstart, $3  }
0x38: {  	[dreg:$0x1] =	wrdreg $0xFFFFFFFF  }
0x39: {  	_ =	task.clear_ibuf [dreg:s7], $0x2FFFF;
	_ =	strace $0x9FFFFFFF  }
0x3a: {  	(tm) =	ssettm $0x7FFFFFFF  }
0x3b: {  	_ =	shalt  }
tec
execute0_lowered:
.L_overlay_start_1:
0x0: {  	(tag) =	ssettag $0x1  }
0x1: {  	s7 =	rddreg [dreg:$0x0];
	s0 =	stileid.u32  }
0x2: {  	s1 =	srdreg.scid;
	s2 =	rddreg [dreg:$0x1];
	s31 =	simm.s32 $0x2  }
0x3: {  	s14 =	simm.s32 $0x0;
	s13 =	simm.s32 $0x0;
	s12 =	simm.s32 $0x0  }
0x4: {  	s3 =	sshll.u32 s0, $0x7;
	s4 =	sshll.u32 s0, $0x4;
	s1 =	sshll.u32 s1, $0x8  }
0x5: {  	s3 =	sand.u32 $0x380, s3;
	s4 =	sor.u32 s4, s1;
	s1 =	rddreg [dreg:$0x2]  }
0x6: {  	_ =	strace $0x8000004A;
	s4 =	sand.u32 $0x180, s4;
	s5 =	ssub.s32 $0x400, s3  }
0x7: {  	s6 =	sand.u32 $0x380, s5;
	s8 =	ssub.s32 $0x3200, s4;
	s10 =	sshrl.u32 s5, $0xA  }
0x8: {  	p0 =	sne.s32 s6, $0x0;
	s6 =	simm.s32 $0x1;
	s9 =	sand.u32 $0x180, s8  }
0x9: {  	s6 =	simm.s32 @!p0 $0x0;
	p0 =	sne.s32 s9, $0x0;
	s9 =	simm.s32 $0x1  }
.Ltmp0:
0xa: {  	s8 =	sshrl.u32 s8, $0x9;
	s9 =	simm.s32 @!p0 $0x0;
	(pc) =	sbr.rel .LBB1_1-.Ltmp0, $4  }
0xb: {  	s5 =	simm.s32 $0x1;
	s6 =	sadd.s32 s6, s10;
	s8 =	sadd.s32 s9, s8  }
0xc: {  	s7 =	sadd.s32 $0xC00, s7;
	[sflag:s5] =	ssyncpa.u1 $0x0;
	s6 =	smul.u32 s6, s8  }
0xd: {  	s11 =	smov.u32 s3;
	[sflag:s31] =	ssyncpa.u1 $0x0;
	p0 =	por $0x0, $0x0  }
0xe: {  	s10 =	smov.u32 s4;
	s9 =	simm.s32 $0x2000;
	s8 =	sadd.s32 $0x1, s6  }
.LBB1_4:
0xf: {  	v5 =	vld [tilespmem:s18+$0xFFFFFFD0];
	[tilespmem:s17+$0x2040 ss:$0x81] =	vst.msk $0xffff, v4;
	s20 =	sshll.u32 s14, $0xA;
	s21 =	sshll.u32 s13, $0x3  }
0x10: {  	v58 =	vld [tilespmem:s18+$0xFFFFFFE0];
	[tilespmem:s17+$0x2850 ss:$0x81] =	vst.msk $0xffff, v3;
	s20 =	sand.u32 $0xFFFFE000, s20;
	s21 =	sand.u32 $0xFFFFFC00, s21  }
0x11: {  	s19 =	sshra.s32 s19, $0x2;
	v59 =	vld [tilespmem:s18+$0xFFFFFFF0];
	[tilespmem:s17+$0x3060 ss:$0x81] =	vst.msk $0xffff, v2;
	s20 =	sadd.s32 s21, s20  }
0x12: {  	v60 =	vld [tilespmem:s18+$0x0];
	[tilespmem:s17+$0x0 ss:$0x81] =	vst.msk $0xffff, v0;
	s16 =	sadd.s32 s19, s16;
	s26 =	sshrl.u32 s20, $0xA  }
0x13: {  	v61 =	vld [tilespmem:s18+$0x10];
	[tilespmem:s16+$0x3870 ss:$0x81] =	vst.msk $0xffff, v1;
	s27 =	smulhi.u32 $0x28F5C3, s26  }
0x14: {  	v62 =	vld [tilespmem:s18+$0x20];
	[tilespmem:s16+$0x810 ss:$0x81] =	vst.msk $0xffff, v5  }
0x15: {  	v63 =	vld [tilespmem:s18+$0xFFFFFFC0];
	s28 =	sshll.u32 s14, $0x7;
	[tilespmem:s16+$0x1020 ss:$0x81] =	vst.msk $0xffff, v58;
	s29 =	sshrl.u32 s27, $0x3  }
0x16: {  	s30 =	sand.u32 $0x78, s13;
	s14 =	sand.u32 $0x380, s28;
	[tilespmem:s16+$0x1830 ss:$0x81] =	vst.msk $0xffff, v59;
	s18 =	smul.u32 $0x3200, s29  }
0x17: {  	s14 =	sor.u32 s30, s14;
	[tilespmem:s16+$0x2040 ss:$0x81] =	vst.msk $0xffff, v60  }
0x18: {  	s31 =	sand.u32 $0x7, s13;
	s14 =	sshrl.u32 s14, $0x3;
	[tilespmem:s16+$0x2850 ss:$0x81] =	vst.msk $0xffff, v61;
	s17 =	ssub.s32 s26, s18  }
0x19: {  	s13 =	sshll.u32 s31, $0x12;
	s14 =	sadd.s32 s2, s14;
	[tilespmem:s16+$0x3060 ss:$0x81] =	vst.msk $0xffff, v62;
	s17 =	sshll.u32 s17, $0x7  }
0x1a: {  	s13 =	sor.u32 $0x400, s13;
	[tilespmem:s16+$0x0 ss:$0x81] =	vst.msk $0xffff, v63;
	s14 =	sadd.s32 s17, s14  }
0x1b: {  	[hbm4b:s14+s13] =	stream.strided.scatter [tilespmem:s15], [sflag:$0x2], $0x4000, s9, s13, $0x20;
	[tilespmem:$0x10100] =	vst v63  }
.LBB1_5:
0x1c: {  	s15 =	sadd.s32 $0x200, s10  }
0x1d: {  	s13 =	sadd.s32 $0x400, s11;
	s17 =	smov.u32 s11;
	p2 =	sgt.s32 s15, $0x31FF  }
0x1e: {  	s17 =	smov.u32 @p2 s13  }
0x1f: {  	s15 =	smov.u32 @p2 s4;
	p2 =	sgt.s32 s17, $0x3FF  }
0x20: {  	s17 =	smov.u32 @p2 s3;
	p2 =	sne.s32 s12, s8  }
.Ltmp1:
0x21: {  	p1 =	slt.u32 s12, $0x2;
	(pc) =	sbr.rel @!p2 .LBB1_6-.Ltmp1, $4  }
0x22: {  	s16 =	simm.s32 @!p1 $0x2  }
0x23: {  	s14 =	smov.u32 s10;
	p0 =	por !p0, !p0;
	_ =	swait.ge @!p1 [sflag:s16], $0x4000  }
0x24: {  	s13 =	smov.u32 s11;
	[sflag:s16] =	ssyncset.done @!p1 $0x0;
	s10 =	smov.u32 s15  }
0x25: {  	s12 =	sadd.s32 $0x1, s12;
	[sflag:s16] =	ssyncadd.s32 @!p1 $0xFFFFC000;
	s11 =	smov.u32 s17  }
.LBB1_1:
0x26: {  	p1 =	sge.u32 s12, s6  }
0x27: {  	s15 =	sshrl.u32 @!p1 s11, $0x3  }
0x28: {  	s16 =	sshll.u32 @!p1 s10, $0x3;
	s15 =	smul.u32 @!p1 $0x19000, s15  }
0x29: {  	s17 =	sshll.u32 @!p1 s11, $0x7;
	s16 =	sand.u32 @!p1 $0xFFFFFC00, s16  }
0x2a: {  	s15 =	sadd.s32 @!p1 s15, s16;
	s16 =	sand.u32 @!p1 $0x380, s17  }
0x2b: {  	s17 =	sand.u32 @!p1 $0x7F, s10;
	s15 =	sor.u32 @!p1 s16, s15  }
0x2c: {  	s16 =	sor.u32 @!p1 s17, s15  }
0x2d: {  	s17 =	smulhi.u32 @!p1 $0x51EB851F, s16;
	_ =	sdelay $0x1  }
0x2e: {  	s15 =	smulhi.u32 @!p1 $0x51EB851F, s15;
	s17 =	sshrl.u32 @!p1 s17, $0xC  }
0x2f: {  	s17 =	smul.u32 @!p1 $0x3200, s17  }
0x30: {  	s31 =	sadd.s32 $0xFFFFFFFF, s12;
	s18 =	sxor.u32 @!p1 $0xFFFFFFFF, s12;
	s15 =	sshrl.u32 @!p1 s15, $0xC  }
0x31: {  	s18 =	sshll.u32 @!p1 s18, $0xE;
	s15 =	sand.u32 @!p1 $0x3FF, s15;
	s16 =	ssub.s32 @!p1 s16, s17  }
0x32: {  	s15 =	smul.u32 @!p1 $0x640, s15;
	s17 =	sshrl.u32 @!p1 s16, $0x3;
	s16 =	sand.u32 @!p1 $0x7, s16  }
0x33: {  	s18 =	sand.u32 @!p1 $0x4000, s18;
	s17 =	sadd.s32 @!p1 s7, s17;
	s16 =	sshll.u32 @!p1 s16, $0x12  }
0x34: {  	s15 =	sadd.s32 @!p1 s15, s17;
	s16 =	sor.u32 @!p1 $0x400, s16;
	s17 =	simm.s32 @!p1 $0x19000  }
0x35: {  	[tilespmem:s18], [sflag:$0x1] =	stream.strided.gather @!p1 [hbm4b:s15+s16], $0x4000, s17, s16, $0x38;
	[tilespmem:$0x10100] =	vst v63  }
0x36: {  	p1 =	sge.u32 s31, s6  }
.Ltmp2:
0x37: {  	_ = 	snop;
	(pc) =	sbr.rel @p1 .LBB1_5-.Ltmp2, $1  }
0x38: {  	_ =	sdelay $0x3  }
0x39: {  	s15 =	simm.s32 $0x1  }
0x3a: {  	_ =	swait.ge [sflag:s5], $0x4000;
	s15 =	simm.s32 @!p0 $0x0  }
0x3b: {  	[sflag:s5] =	ssyncset.done $0x0;
	s16 =	sshll.u32 s15, $0xE  }
0x3c: {  	[sflag:s5] =	ssyncadd.s32 $0xFFFFC000;
	s18 =	sor.u32 $0x40, s16  }
0x3d: {  	s15 =	smul.u32 $0x10200, s15;
	v0 =	vld [tilespmem:s18+$0x30]  }
0x3e: {  	v1 =	vld [tilespmem:s18+$0xFFFFFFD0]  }
0x3f: {  	s15 =	sshrl.u32 s15, $0x2;
	v5 =	vld [tilespmem:s18+$0xFFFFFFE0]  }
0x40: {  	v6 =	vld [tilespmem:s18+$0xFFFFFFF0];
	s16 =	sor.u32 $0x8000, s15  }
0x41: {  	s31 =	sand.u32 $0x1, s12;
	v4 =	vld [tilespmem:s18+$0x0];
	s17 =	sadd.s32 $0x0, s16  }
0x42: {  	v3 =	vld [tilespmem:s18+$0x10];
	s15 =	smul.u32 $0x10200, s31;
	[tilespmem:s17+$0x3870 ss:$0x81] =	vst.msk $0xffff, v0  }
0x43: {  	v2 =	vld [tilespmem:s18+$0x20];
	[tilespmem:s17+$0x810 ss:$0x81] =	vst.msk $0xffff, v1  }
0x44: {  	s15 =	sshrl.u32 s15, $0x2;
	v0 =	vld [tilespmem:s18+$0xFFFFFFC0];
	[tilespmem:s17+$0x1020 ss:$0x81] =	vst.msk $0xffff, v5;
	s18 =	sadd.s32 $0x80, s18  }
0x45: {  	s19 =	simm.s32 $0x4;
	s20 =	simm.s32 $0x8;
	s15 =	sor.u32 $0x8000, s15;
	[tilespmem:s17+$0x1830 ss:$0x81] =	vst.msk $0xffff, v6;
	v1 =	vld [tilespmem:s18+$0x30]  }
.LBB1_3:
0x46: {  	p1 =	sne.s32 s20, $0x1FC;
	v5 =	vld [tilespmem:s18+$0xFFFFFFD0];
	[tilespmem:s17+$0x2040 ss:$0x81] =	vst.msk $0xffff, v4  }
0x47: {  	v6 =	vld [tilespmem:s18+$0xFFFFFFE0];
	[tilespmem:s17+$0x2850 ss:$0x81] =	vst.msk $0xffff, v3  }
0x48: {  	s21 =	sshra.s32 s19, $0x2;
	s19 =	smov.u32 s20;
	v7 =	vld [tilespmem:s18+$0xFFFFFFF0];
	[tilespmem:s17+$0x3060 ss:$0x81] =	vst.msk $0xffff, v2  }
.Ltmp3:
0x49: {  	v4 =	vld [tilespmem:s18+$0x0];
	[tilespmem:s17+$0x0 ss:$0x81] =	vst.msk $0xffff, v0;
	s17 =	sadd.s32 s21, s16;
	(pc) =	sbr.rel @p1 .LBB1_3-.Ltmp3, $4  }
0x4a: {  	v3 =	vld [tilespmem:s18+$0x10];
	[tilespmem:s17+$0x3870 ss:$0x81] =	vst.msk $0xffff, v1  }
0x4b: {  	[tilespmem:s17+$0x810 ss:$0x81] =	vst.msk $0xffff, v5;
	v2 =	vld [tilespmem:s18+$0x20]  }
0x4c: {  	v0 =	vld [tilespmem:s18+$0xFFFFFFC0];
	[tilespmem:s17+$0x1020 ss:$0x81] =	vst.msk $0xffff, v6;
	s18 =	sadd.s32 $0x80, s18  }
0x4d: {  	s20 =	sadd.s32 $0x4, s20;
	v1 =	vld [tilespmem:s18+$0x30];
	[tilespmem:s17+$0x1830 ss:$0x81] =	vst.msk $0xffff, v7  }
.Ltmp4:
0x4e: {  	_ = 	snop;
	(pc) =	sbr.rel .LBB1_4-.Ltmp4, $1  }
0x4f: {  	_ =	sdelay $0x3  }
.LBB1_6:
0x50: {  	_ =	sfence.sel $0x180000  }
0x51: {  	s2 =	simm.s32 $0x1;
	[bflag:$0x0] =	sbarrier.arrive $0xFFFF  }
0x52: {  	s31 =	simm.s32 $0x2;
	[sflag:s2] =	ssyncpa.u1 $0x1  }
0x53: {  	[sflag:s31] =	ssyncpa.u1 $0x1  }
0x54: {  	p0 =	sne.s32 s0, $0x0;
	_ =	strace $0x9000004A  }
0x55: {  	s0 =	sadd.s32 @!p0 $0x100000, s1;
	[bflag:$0x2] =	sbarrier.arrive $0xFFFF  }
0x56: {  	[sflag:s0] =	ssyncadd.tile.s32 @!p0 $0x1;
	_ =	shalt  }
.Lfunc_end1:
_tile_overlayer_lowered:
.L_overlay_start_2:
0x57: {  	(tag) =	ssettag $0x2  }
0x58: {  	s0 =	rddreg [dreg:$0x0];
	s2 =	stileid.u32  }
0x59: {  	s1 =	rddreg [dreg:$0x1];
	p0 =	sne.s32 s2, $0x0  }
0x5a: {  	s3 =	rddreg [dreg:$0x2];
	[bflag:$0x3] =	sbarrier.arrive $0xFFFF;
	s2 =	simm.s32 @!p0 $0x1C01  }
0x5b: {  	[timem:s3], [sflag:s2] =	dma.local @!p0 [hbm:s0], s1  }
0x5c: {  	s0 =	simm.s32 @!p0 $0x1  }
0x5d: {  	_ =	swait.ge @!p0 [sflag:s0], s1  }
0x5e: {  	s1 =	ssub.s32 @!p0 $0x0, s1;
	[sflag:s0] =	ssyncset.done @!p0 $0x0  }
0x5f: {  	[sflag:s0] =	ssyncadd.s32 @!p0 s1  }
0x60: {  	[bflag:$0x3] =	sbarrier.arrive $0xFFFF  }
0x61: {  	_ =	shalt  }

</sc_bundles>
